<compile_context>
chip_gen: v7x
topology: tpu7x:2x2x1
jax: 0.10.2.dev20260603
libtpu: 0.0.44.dev20260713+nightly
codegen_flags: <defaults>
</compile_context>

<pallas_src>
import functools

import jax
import jax.numpy as jnp
from jax import lax
from jax.experimental import pallas as pl
from jax.experimental.pallas import tpu as pltpu
from jax.experimental.pallas import tpu_sc as plsc

_B = 1024
_S = 50
_D = 128
_NTOK = _B * _S

_info = plsc.get_sparse_core_info()
_NC, _NS = _info.num_cores, _info.num_subcores
_NW = _NC * _NS
_PER_W = _NTOK // _NW
_C = 80
_NCHUNK = _PER_W // _C


def _gather_body(table_hbm, ids_hbm, out_hbm, idx_v, rows_v, gsem):
    wid = lax.axis_index("s") * _NC + lax.axis_index("c")
    pltpu.sync_copy(ids_hbm.at[wid], idx_v)
    base = wid * _PER_W
    for j in range(_NCHUNK):
        pltpu.async_copy(table_hbm.at[idx_v.at[j]], rows_v, gsem).wait()
        pltpu.sync_copy(rows_v, out_hbm.at[pl.ds(base + j * _C, _C)])


_gather = functools.partial(
    pl.kernel,
    mesh=plsc.VectorSubcoreMesh(core_axis_name="c", subcore_axis_name="s"),
    out_type=jax.ShapeDtypeStruct((_NTOK, _D), jnp.float32),
    scratch_types=[
        pltpu.VMEM((_NCHUNK, _C), jnp.int32),
        pltpu.VMEM((_C, _D), jnp.float32),
        pltpu.SemaphoreType.DMA,
    ],
)(_gather_body)


_MB = 64


def _mask_body(mask_ref, out_ref):
    m = mask_ref[...].astype(jnp.float32)
    out_ref[...] = jnp.broadcast_to(m[:, None, :], (_MB, _S, _S))


def _mask_kernel(mask):
    return pl.pallas_call(
        _mask_body,
        grid=(_B // _MB,),
        in_specs=[pl.BlockSpec((_MB, _S), lambda i: (i, 0))],
        out_specs=pl.BlockSpec((_MB, _S, _S), lambda i: (i, 0, 0)),
        out_shape=jax.ShapeDtypeStruct((_B, _S, _S), jnp.float32),
    )(mask)


def kernel(word_ids, mask, table):
    ids = word_ids.reshape(_NW, _NCHUNK, _C)
    emb = _gather(table, ids).reshape(_B, _S, _D)
    attention_mask = _mask_kernel(mask)
    return (emb, attention_mask)

# --- scband reference (transcript-rebuilt; emitter-appended) ---
"""Pipeline reference for scband-embeddings-73126113181967 (READ-ONLY COPY).

The authoritative reference and input builder live on the scoring server;
editing this copy changes nothing except your own understanding.
"""

import jax, jax.numpy as jnp
import numpy as np

VOCAB = 100000
HIDDEN = 128
B = 1024
S = 50

def setup_inputs(seed: int = 0) -> dict:
    key = jax.random.key(seed)
    k1, k2, k3 = jax.random.split(key, 3)
    word_ids = jax.random.randint(k1, (B, S), 0, VOCAB, dtype=jnp.int32)
    mask = jax.random.randint(k2, (B, S), 0, 2, dtype=jnp.int32)
    # word_embeddings table, TruncatedNormal(stddev=0.02)
    table = jax.random.truncated_normal(k3, -2.0, 2.0, (VOCAB, HIDDEN), dtype=jnp.float32) * 0.02
    return {"word_ids": word_ids, "mask": mask, "table": table}

def reference(word_ids, mask, table):
    # OnDeviceEmbedding: gather rows of the embedding table
    word_embeddings = jnp.take(table, word_ids, axis=0)  # [B, S, HIDDEN]
    # SelfAttentionMask([word_embeddings, mask]):
    # to_mask -> [B, 1, S] float; broadcast_ones -> [B, S, 1]; mask3d = ones * to_mask
    to_mask = mask.astype(jnp.float32).reshape(B, 1, S)
    broadcast_ones = jnp.ones((B, S, 1), dtype=jnp.float32)
    attention_mask = broadcast_ones * to_mask  # [B, S, S]
    return (word_embeddings, attention_mask)

if __name__ == "__main__":
    import jax
    _d = setup_inputs()
    print(jax.jit(kernel)(*tuple(_d.values())))

</pallas_src>

<mosaic_0001>
#map = affine_map<(d0, d1) -> (0, 0)>
#map1 = affine_map<(d0, d1) -> (0, 0, 0)>
module attributes {stable_mosaic.version = 14 : i64} {
  func.func @_gather_body(%arg0: i32, %arg1: i32, %arg2: memref<100000x128xf32, #tpu.memory_space<hbm>>, %arg3: memref<32x20x80xi32, #tpu.memory_space<hbm>>, %arg4: memref<51200x128xf32, #tpu.memory_space<hbm>>, %arg5: memref<20x80xi32, #tpu.memory_space<vmem>>, %arg6: memref<80x128xf32, #tpu.memory_space<vmem>>, %arg7: memref<!tpu.dma_semaphore, #tpu.memory_space<semaphore_mem>>) attributes {dimension_semantics = [#tpu.dimension_semantics<core_parallel>, #tpu.dimension_semantics<subcore_parallel>], iteration_bounds = array<i64: 2, 16>, scalar_prefetch = 0 : i64, scratch_operands = 3 : i64, tpu.core_type = #tpu.core_type<sc_vector_subcore>, window_params = [{transform_indices = #map}, {transform_indices = #map1}, {transform_indices = #map}]} {
    %mul3A = arith.constant 2 : i32
    %mul3A_0 = arith.muli %arg1, %mul3A : i32
    %add3A = arith.addi %mul3A_0, %arg0 : i32
    "tpu.region"() ({
      %run_scoped3A = tpu.sem_alloc : memref<!tpu.dma_semaphore, #tpu.memory_space<semaphore_mem>>
      %dma_start3A_321 = arith.constant 0 : i32
      %dma_start3A_322 = arith.constant 0 : i32
      %dma_start3A_323 = tpu.memref_slice %arg3[%add3A, %dma_start3A_321, %dma_start3A_322] : memref<32x20x80xi32, #tpu.memory_space<hbm>> -> memref<1x20x80xi32, #tpu.memory_space<hbm>>
      %dma_start3A_324 = tpu.memref_squeeze %dma_start3A_323 : memref<1x20x80xi32, #tpu.memory_space<hbm>> -> memref<20x80xi32, #tpu.memory_space<hbm>>
      %dma_start3A_325 = arith.constant 0 : i32
      %dma_start3A_326 = arith.constant 0 : i32
      %dma_start3A_327 = tpu.memref_slice %arg3[%add3A, %dma_start3A_325, %dma_start3A_326] : memref<32x20x80xi32, #tpu.memory_space<hbm>> -> memref<1x20x80xi32, #tpu.memory_space<hbm>>
      %dma_start3A_328 = tpu.memref_squeeze %dma_start3A_327 : memref<1x20x80xi32, #tpu.memory_space<hbm>> -> memref<20x80xi32, #tpu.memory_space<hbm>>
      tpu.enqueue_dma source(%dma_start3A_328 : memref<20x80xi32, #tpu.memory_space<hbm>>) target(%arg5 : memref<20x80xi32, #tpu.memory_space<vmem>>) target_semaphore(%run_scoped3A : memref<!tpu.dma_semaphore, #tpu.memory_space<semaphore_mem>>)
      %dma_wait3A_329 = arith.constant 0 : i32
      %dma_wait3A_330 = arith.constant 0 : i32
      %dma_wait3A_331 = tpu.memref_slice %arg3[%add3A, %dma_wait3A_329, %dma_wait3A_330] : memref<32x20x80xi32, #tpu.memory_space<hbm>> -> memref<1x20x80xi32, #tpu.memory_space<hbm>>
      %dma_wait3A_332 = tpu.memref_squeeze %dma_wait3A_331 : memref<1x20x80xi32, #tpu.memory_space<hbm>> -> memref<20x80xi32, #tpu.memory_space<hbm>>
      %dma_wait3A_333 = arith.constant 0 : i32
      %dma_wait3A_334 = arith.constant 0 : i32
      %dma_wait3A_335 = tpu.memref_slice %arg3[%add3A, %dma_wait3A_333, %dma_wait3A_334] : memref<32x20x80xi32, #tpu.memory_space<hbm>> -> memref<1x20x80xi32, #tpu.memory_space<hbm>>
      %dma_wait3A_336 = tpu.memref_squeeze %dma_wait3A_335 : memref<1x20x80xi32, #tpu.memory_space<hbm>> -> memref<20x80xi32, #tpu.memory_space<hbm>>
      tpu.wait_dma2 semaphore(%run_scoped3A : memref<!tpu.dma_semaphore, #tpu.memory_space<semaphore_mem>>) src(%dma_wait3A_336 : memref<20x80xi32, #tpu.memory_space<hbm>>) dst(%arg5 : memref<20x80xi32, #tpu.memory_space<vmem>>)
      tpu.yield
    }) : () -> ()
    %mul3A_1 = arith.constant 1600 : i32
    %mul3A_2 = arith.muli %add3A, %mul3A_1 : i32
    %dma_start3A = arith.constant 0 : i32
    %dma_start3A_3 = arith.constant 0 : i32
    %dma_start3A_4 = tpu.memref_slice %arg5[%dma_start3A, %dma_start3A_3] : memref<20x80xi32, #tpu.memory_space<vmem>> -> memref<1x80xi32, #tpu.memory_space<vmem>>
    %dma_start3A_5 = tpu.memref_squeeze %dma_start3A_4 : memref<1x80xi32, #tpu.memory_space<vmem>> -> memref<80xi32, #tpu.memory_space<vmem>>
    %dma_start3A_6 = arith.constant 0 : i32
    %dma_start3A_7 = arith.constant 0 : i32
    %dma_start3A_8 = tpu.memref_slice %arg2[%dma_start3A_6, %dma_start3A_7] : memref<100000x128xf32, #tpu.memory_space<hbm>> -> memref<100000x128xf32, #tpu.memory_space<hbm>>
    tpu.enqueue_indirect_dma source(%dma_start3A_8 : memref<100000x128xf32, #tpu.memory_space<hbm>>) target(%arg6 : memref<80x128xf32, #tpu.memory_space<vmem>>) offsets(%dma_start3A_5 : memref<80xi32, #tpu.memory_space<vmem>>) semaphore(%arg7 : memref<!tpu.dma_semaphore, #tpu.memory_space<semaphore_mem>>)
    %dma_wait3A = arith.constant 0 : i32
    %dma_wait3A_9 = arith.constant 0 : i32
    %dma_wait3A_10 = tpu.memref_slice %arg5[%dma_wait3A, %dma_wait3A_9] : memref<20x80xi32, #tpu.memory_space<vmem>> -> memref<1x80xi32, #tpu.memory_space<vmem>>
    %dma_wait3A_11 = tpu.memref_squeeze %dma_wait3A_10 : memref<1x80xi32, #tpu.memory_space<vmem>> -> memref<80xi32, #tpu.memory_space<vmem>>
    %dma_wait3A_12 = arith.constant 0 : i32
    %dma_wait3A_13 = arith.constant 0 : i32
    %dma_wait3A_14 = tpu.memref_slice %arg2[%dma_wait3A_12, %dma_wait3A_13] : memref<100000x128xf32, #tpu.memory_space<hbm>> -> memref<100000x128xf32, #tpu.memory_space<hbm>>
    tpu.wait_indirect_dma semaphore(%arg7 : memref<!tpu.dma_semaphore, #tpu.memory_space<semaphore_mem>>) src(%dma_wait3A_14 : memref<100000x128xf32, #tpu.memory_space<hbm>>) dst(%arg6 : memref<80x128xf32, #tpu.memory_space<vmem>>)
    %add3A_15 = arith.constant 0 : i32
    %add3A_16 = arith.addi %mul3A_2, %add3A_15 : i32
    "tpu.region"() ({
      %run_scoped3A = tpu.sem_alloc : memref<!tpu.dma_semaphore, #tpu.memory_space<semaphore_mem>>
      %dma_start3A_321 = arith.constant 0 : i32
      %dma_start3A_322 = tpu.memref_slice %arg4[%add3A_16, %dma_start3A_321] : memref<51200x128xf32, #tpu.memory_space<hbm>> -> memref<80x128xf32, #tpu.memory_space<hbm>>
      %dma_start3A_323 = arith.constant 0 : i32
      %dma_start3A_324 = tpu.memref_slice %arg4[%add3A_16, %dma_start3A_323] : memref<51200x128xf32, #tpu.memory_space<hbm>> -> memref<80x128xf32, #tpu.memory_space<hbm>>
      tpu.enqueue_dma source(%arg6 : memref<80x128xf32, #tpu.memory_space<vmem>>) target(%dma_start3A_324 : memref<80x128xf32, #tpu.memory_space<hbm>>) target_semaphore(%run_scoped3A : memref<!tpu.dma_semaphore, #tpu.memory_space<semaphore_mem>>)
      %dma_wait3A_325 = arith.constant 0 : i32
      %dma_wait3A_326 = tpu.memref_slice %arg4[%add3A_16, %dma_wait3A_325] : memref<51200x128xf32, #tpu.memory_space<hbm>> -> memref<80x128xf32, #tpu.memory_space<hbm>>
      %dma_wait3A_327 = arith.constant 0 : i32
      %dma_wait3A_328 = tpu.memref_slice %arg4[%add3A_16, %dma_wait3A_327] : memref<51200x128xf32, #tpu.memory_space<hbm>> -> memref<80x128xf32, #tpu.memory_space<hbm>>
      tpu.wait_dma2 semaphore(%run_scoped3A : memref<!tpu.dma_semaphore, #tpu.memory_space<semaphore_mem>>) src(%arg6 : memref<80x128xf32, #tpu.memory_space<vmem>>) dst(%dma_wait3A_328 : memref<80x128xf32, #tpu.memory_space<hbm>>)
      tpu.yield
    }) : () -> ()
    %dma_start3A_17 = arith.constant 1 : i32
    %dma_start3A_18 = arith.constant 0 : i32
    %dma_start3A_19 = tpu.memref_slice %arg5[%dma_start3A_17, %dma_start3A_18] : memref<20x80xi32, #tpu.memory_space<vmem>> -> memref<1x80xi32, #tpu.memory_space<vmem>>
    %dma_start3A_20 = tpu.memref_squeeze %dma_start3A_19 : memref<1x80xi32, #tpu.memory_space<vmem>> -> memref<80xi32, #tpu.memory_space<vmem>>
    %dma_start3A_21 = arith.constant 0 : i32
    %dma_start3A_22 = arith.constant 0 : i32
    %dma_start3A_23 = tpu.memref_slice %arg2[%dma_start3A_21, %dma_start3A_22] : memref<100000x128xf32, #tpu.memory_space<hbm>> -> memref<100000x128xf32, #tpu.memory_space<hbm>>
    tpu.enqueue_indirect_dma source(%dma_start3A_23 : memref<100000x128xf32, #tpu.memory_space<hbm>>) target(%arg6 : memref<80x128xf32, #tpu.memory_space<vmem>>) offsets(%dma_start3A_20 : memref<80xi32, #tpu.memory_space<vmem>>) semaphore(%arg7 : memref<!tpu.dma_semaphore, #tpu.memory_space<semaphore_mem>>)
    %dma_wait3A_24 = arith.constant 1 : i32
    %dma_wait3A_25 = arith.constant 0 : i32
    %dma_wait3A_26 = tpu.memref_slice %arg5[%dma_wait3A_24, %dma_wait3A_25] : memref<20x80xi32, #tpu.memory_space<vmem>> -> memref<1x80xi32, #tpu.memory_space<vmem>>
    %dma_wait3A_27 = tpu.memref_squeeze %dma_wait3A_26 : memref<1x80xi32, #tpu.memory_space<vmem>> -> memref<80xi32, #tpu.memory_space<vmem>>
    %dma_wait3A_28 = arith.constant 0 : i32
    %dma_wait3A_29 = arith.constant 0 : i32
    %dma_wait3A_30 = tpu.memref_slice %arg2[%dma_wait3A_28, %dma_wait3A_29] : memref<100000x128xf32, #tpu.memory_space<hbm>> -> memref<100000x128xf32, #tpu.memory_space<hbm>>
    tpu.wait_indirect_dma semaphore(%arg7 : memref<!tpu.dma_semaphore, #tpu.memory_space<semaphore_mem>>) src(%dma_wait3A_30 : memref<100000x128xf32, #tpu.memory_space<hbm>>) dst(%arg6 : memref<80x128xf32, #tpu.memory_space<vmem>>)
    %add3A_31 = arith.constant 80 : i32
    %add3A_32 = arith.addi %mul3A_2, %add3A_31 : i32
    "tpu.region"() ({
      %run_scoped3A = tpu.sem_alloc : memref<!tpu.dma_semaphore, #tpu.memory_space<semaphore_mem>>
      %dma_start3A_321 = arith.constant 0 : i32
      %dma_start3A_322 = tpu.memref_slice %arg4[%add3A_32, %dma_start3A_321] : memref<51200x128xf32, #tpu.memory_space<hbm>> -> memref<80x128xf32, #tpu.memory_space<hbm>>
      %dma_start3A_323 = arith.constant 0 : i32
      %dma_start3A_324 = tpu.memref_slice %arg4[%add3A_32, %dma_start3A_323] : memref<51200x128xf32, #tpu.memory_space<hbm>> -> memref<80x128xf32, #tpu.memory_space<hbm>>
      tpu.enqueue_dma source(%arg6 : memref<80x128xf32, #tpu.memory_space<vmem>>) target(%dma_start3A_324 : memref<80x128xf32, #tpu.memory_space<hbm>>) target_semaphore(%run_scoped3A : memref<!tpu.dma_semaphore, #tpu.memory_space<semaphore_mem>>)
      %dma_wait3A_325 = arith.constant 0 : i32
      %dma_wait3A_326 = tpu.memref_slice %arg4[%add3A_32, %dma_wait3A_325] : memref<51200x128xf32, #tpu.memory_space<hbm>> -> memref<80x128xf32, #tpu.memory_space<hbm>>
      %dma_wait3A_327 = arith.constant 0 : i32
      %dma_wait3A_328 = tpu.memref_slice %arg4[%add3A_32, %dma_wait3A_327] : memref<51200x128xf32, #tpu.memory_space<hbm>> -> memref<80x128xf32, #tpu.memory_space<hbm>>
      tpu.wait_dma2 semaphore(%run_scoped3A : memref<!tpu.dma_semaphore, #tpu.memory_space<semaphore_mem>>) src(%arg6 : memref<80x128xf32, #tpu.memory_space<vmem>>) dst(%dma_wait3A_328 : memref<80x128xf32, #tpu.memory_space<hbm>>)
      tpu.yield
    }) : () -> ()
    %dma_start3A_33 = arith.constant 2 : i32
    %dma_start3A_34 = arith.constant 0 : i32
    %dma_start3A_35 = tpu.memref_slice %arg5[%dma_start3A_33, %dma_start3A_34] : memref<20x80xi32, #tpu.memory_space<vmem>> -> memref<1x80xi32, #tpu.memory_space<vmem>>
    %dma_start3A_36 = tpu.memref_squeeze %dma_start3A_35 : memref<1x80xi32, #tpu.memory_space<vmem>> -> memref<80xi32, #tpu.memory_space<vmem>>
    %dma_start3A_37 = arith.constant 0 : i32
    %dma_start3A_38 = arith.constant 0 : i32
    %dma_start3A_39 = tpu.memref_slice %arg2[%dma_start3A_37, %dma_start3A_38] : memref<100000x128xf32, #tpu.memory_space<hbm>> -> memref<100000x128xf32, #tpu.memory_space<hbm>>
    tpu.enqueue_indirect_dma source(%dma_start3A_39 : memref<100000x128xf32, #tpu.memory_space<hbm>>) target(%arg6 : memref<80x128xf32, #tpu.memory_space<vmem>>) offsets(%dma_start3A_36 : memref<80xi32, #tpu.memory_space<vmem>>) semaphore(%arg7 : memref<!tpu.dma_semaphore, #tpu.memory_space<semaphore_mem>>)
    %dma_wait3A_40 = arith.constant 2 : i32
    %dma_wait3A_41 = arith.constant 0 : i32
    %dma_wait3A_42 = tpu.memref_slice %arg5[%dma_wait3A_40, %dma_wait3A_41] : memref<20x80xi32, #tpu.memory_space<vmem>> -> memref<1x80xi32, #tpu.memory_space<vmem>>
    %dma_wait3A_43 = tpu.memref_squeeze %dma_wait3A_42 : memref<1x80xi32, #tpu.memory_space<vmem>> -> memref<80xi32, #tpu.memory_space<vmem>>
    %dma_wait3A_44 = arith.constant 0 : i32
    %dma_wait3A_45 = arith.constant 0 : i32
    %dma_wait3A_46 = tpu.memref_slice %arg2[%dma_wait3A_44, %dma_wait3A_45] : memref<100000x128xf32, #tpu.memory_space<hbm>> -> memref<100000x128xf32, #tpu.memory_space<hbm>>
    tpu.wait_indirect_dma semaphore(%arg7 : memref<!tpu.dma_semaphore, #tpu.memory_space<semaphore_mem>>) src(%dma_wait3A_46 : memref<100000x128xf32, #tpu.memory_space<hbm>>) dst(%arg6 : memref<80x128xf32, #tpu.memory_space<vmem>>)
    %add3A_47 = arith.constant 160 : i32
    %add3A_48 = arith.addi %mul3A_2, %add3A_47 : i32
    "tpu.region"() ({
      %run_scoped3A = tpu.sem_alloc : memref<!tpu.dma_semaphore, #tpu.memory_space<semaphore_mem>>
      %dma_start3A_321 = arith.constant 0 : i32
      %dma_start3A_322 = tpu.memref_slice %arg4[%add3A_48, %dma_start3A_321] : memref<51200x128xf32, #tpu.memory_space<hbm>> -> memref<80x128xf32, #tpu.memory_space<hbm>>
      %dma_start3A_323 = arith.constant 0 : i32
      %dma_start3A_324 = tpu.memref_slice %arg4[%add3A_48, %dma_start3A_323] : memref<51200x128xf32, #tpu.memory_space<hbm>> -> memref<80x128xf32, #tpu.memory_space<hbm>>
      tpu.enqueue_dma source(%arg6 : memref<80x128xf32, #tpu.memory_space<vmem>>) target(%dma_start3A_324 : memref<80x128xf32, #tpu.memory_space<hbm>>) target_semaphore(%run_scoped3A : memref<!tpu.dma_semaphore, #tpu.memory_space<semaphore_mem>>)
      %dma_wait3A_325 = arith.constant 0 : i32
      %dma_wait3A_326 = tpu.memref_slice %arg4[%add3A_48, %dma_wait3A_325] : memref<51200x128xf32, #tpu.memory_space<hbm>> -> memref<80x128xf32, #tpu.memory_space<hbm>>
      %dma_wait3A_327 = arith.constant 0 : i32
      %dma_wait3A_328 = tpu.memref_slice %arg4[%add3A_48, %dma_wait3A_327] : memref<51200x128xf32, #tpu.memory_space<hbm>> -> memref<80x128xf32, #tpu.memory_space<hbm>>
      tpu.wait_dma2 semaphore(%run_scoped3A : memref<!tpu.dma_semaphore, #tpu.memory_space<semaphore_mem>>) src(%arg6 : memref<80x128xf32, #tpu.memory_space<vmem>>) dst(%dma_wait3A_328 : memref<80x128xf32, #tpu.memory_space<hbm>>)
      tpu.yield
    }) : () -> ()
    %dma_start3A_49 = arith.constant 3 : i32
    %dma_start3A_50 = arith.constant 0 : i32
    %dma_start3A_51 = tpu.memref_slice %arg5[%dma_start3A_49, %dma_start3A_50] : memref<20x80xi32, #tpu.memory_space<vmem>> -> memref<1x80xi32, #tpu.memory_space<vmem>>
    %dma_start3A_52 = tpu.memref_squeeze %dma_start3A_51 : memref<1x80xi32, #tpu.memory_space<vmem>> -> memref<80xi32, #tpu.memory_space<vmem>>
    %dma_start3A_53 = arith.constant 0 : i32
    %dma_start3A_54 = arith.constant 0 : i32
    %dma_start3A_55 = tpu.memref_slice %arg2[%dma_start3A_53, %dma_start3A_54] : memref<100000x128xf32, #tpu.memory_space<hbm>> -> memref<100000x128xf32, #tpu.memory_space<hbm>>
    tpu.enqueue_indirect_dma source(%dma_start3A_55 : memref<100000x128xf32, #tpu.memory_space<hbm>>) target(%arg6 : memref<80x128xf32, #tpu.memory_space<vmem>>) offsets(%dma_start3A_52 : memref<80xi32, #tpu.memory_space<vmem>>) semaphore(%arg7 : memref<!tpu.dma_semaphore, #tpu.memory_space<semaphore_mem>>)
    %dma_wait3A_56 = arith.constant 3 : i32
    %dma_wait3A_57 = arith.constant 0 : i32
    %dma_wait3A_58 = tpu.memref_slice %arg5[%dma_wait3A_56, %dma_wait3A_57] : memref<20x80xi32, #tpu.memory_space<vmem>> -> memref<1x80xi32, #tpu.memory_space<vmem>>
    %dma_wait3A_59 = tpu.memref_squeeze %dma_wait3A_58 : memref<1x80xi32, #tpu.memory_space<vmem>> -> memref<80xi32, #tpu.memory_space<vmem>>
    %dma_wait3A_60 = arith.constant 0 : i32
    %dma_wait3A_61 = arith.constant 0 : i32
    %dma_wait3A_62 = tpu.memref_slice %arg2[%dma_wait3A_60, %dma_wait3A_61] : memref<100000x128xf32, #tpu.memory_space<hbm>> -> memref<100000x128xf32, #tpu.memory_space<hbm>>
    tpu.wait_indirect_dma semaphore(%arg7 : memref<!tpu.dma_semaphore, #tpu.memory_space<semaphore_mem>>) src(%dma_wait3A_62 : memref<100000x128xf32, #tpu.memory_space<hbm>>) dst(%arg6 : memref<80x128xf32, #tpu.memory_space<vmem>>)
    %add3A_63 = arith.constant 240 : i32
    %add3A_64 = arith.addi %mul3A_2, %add3A_63 : i32
    "tpu.region"() ({
      %run_scoped3A = tpu.sem_alloc : memref<!tpu.dma_semaphore, #tpu.memory_space<semaphore_mem>>
      %dma_start3A_321 = arith.constant 0 : i32
      %dma_start3A_322 = tpu.memref_slice %arg4[%add3A_64, %dma_start3A_321] : memref<51200x128xf32, #tpu.memory_space<hbm>> -> memref<80x128xf32, #tpu.memory_space<hbm>>
      %dma_start3A_323 = arith.constant 0 : i32
      %dma_start3A_324 = tpu.memref_slice %arg4[%add3A_64, %dma_start3A_323] : memref<51200x128xf32, #tpu.memory_space<hbm>> -> memref<80x128xf32, #tpu.memory_space<hbm>>
      tpu.enqueue_dma source(%arg6 : memref<80x128xf32, #tpu.memory_space<vmem>>) target(%dma_start3A_324 : memref<80x128xf32, #tpu.memory_space<hbm>>) target_semaphore(%run_scoped3A : memref<!tpu.dma_semaphore, #tpu.memory_space<semaphore_mem>>)
      %dma_wait3A_325 = arith.constant 0 : i32
      %dma_wait3A_326 = tpu.memref_slice %arg4[%add3A_64, %dma_wait3A_325] : memref<51200x128xf32, #tpu.memory_space<hbm>> -> memref<80x128xf32, #tpu.memory_space<hbm>>
      %dma_wait3A_327 = arith.constant 0 : i32
      %dma_wait3A_328 = tpu.memref_slice %arg4[%add3A_64, %dma_wait3A_327] : memref<51200x128xf32, #tpu.memory_space<hbm>> -> memref<80x128xf32, #tpu.memory_space<hbm>>
      tpu.wait_dma2 semaphore(%run_scoped3A : memref<!tpu.dma_semaphore, #tpu.memory_space<semaphore_mem>>) src(%arg6 : memref<80x128xf32, #tpu.memory_space<vmem>>) dst(%dma_wait3A_328 : memref<80x128xf32, #tpu.memory_space<hbm>>)
      tpu.yield
    }) : () -> ()
    %dma_start3A_65 = arith.constant 4 : i32
    %dma_start3A_66 = arith.constant 0 : i32
    %dma_start3A_67 = tpu.memref_slice %arg5[%dma_start3A_65, %dma_start3A_66] : memref<20x80xi32, #tpu.memory_space<vmem>> -> memref<1x80xi32, #tpu.memory_space<vmem>>
    %dma_start3A_68 = tpu.memref_squeeze %dma_start3A_67 : memref<1x80xi32, #tpu.memory_space<vmem>> -> memref<80xi32, #tpu.memory_space<vmem>>
    %dma_start3A_69 = arith.constant 0 : i32
    %dma_start3A_70 = arith.constant 0 : i32
    %dma_start3A_71 = tpu.memref_slice %arg2[%dma_start3A_69, %dma_start3A_70] : memref<100000x128xf32, #tpu.memory_space<hbm>> -> memref<100000x128xf32, #tpu.memory_space<hbm>>
    tpu.enqueue_indirect_dma source(%dma_start3A_71 : memref<100000x128xf32, #tpu.memory_space<hbm>>) target(%arg6 : memref<80x128xf32, #tpu.memory_space<vmem>>) offsets(%dma_start3A_68 : memref<80xi32, #tpu.memory_space<vmem>>) semaphore(%arg7 : memref<!tpu.dma_semaphore, #tpu.memory_space<semaphore_mem>>)
    %dma_wait3A_72 = arith.constant 4 : i32
    %dma_wait3A_73 = arith.constant 0 : i32
    %dma_wait3A_74 = tpu.memref_slice %arg5[%dma_wait3A_72, %dma_wait3A_73] : memref<20x80xi32, #tpu.memory_space<vmem>> -> memref<1x80xi32, #tpu.memory_space<vmem>>
    %dma_wait3A_75 = tpu.memref_squeeze %dma_wait3A_74 : memref<1x80xi32, #tpu.memory_space<vmem>> -> memref<80xi32, #tpu.memory_space<vmem>>
    %dma_wait3A_76 = arith.constant 0 : i32
    %dma_wait3A_77 = arith.constant 0 : i32
    %dma_wait3A_78 = tpu.memref_slice %arg2[%dma_wait3A_76, %dma_wait3A_77] : memref<100000x128xf32, #tpu.memory_space<hbm>> -> memref<100000x128xf32, #tpu.memory_space<hbm>>
    tpu.wait_indirect_dma semaphore(%arg7 : memref<!tpu.dma_semaphore, #tpu.memory_space<semaphore_mem>>) src(%dma_wait3A_78 : memref<100000x128xf32, #tpu.memory_space<hbm>>) dst(%arg6 : memref<80x128xf32, #tpu.memory_space<vmem>>)
    %add3A_79 = arith.constant 320 : i32
    %add3A_80 = arith.addi %mul3A_2, %add3A_79 : i32
    "tpu.region"() ({
      %run_scoped3A = tpu.sem_alloc : memref<!tpu.dma_semaphore, #tpu.memory_space<semaphore_mem>>
      %dma_start3A_321 = arith.constant 0 : i32
      %dma_start3A_322 = tpu.memref_slice %arg4[%add3A_80, %dma_start3A_321] : memref<51200x128xf32, #tpu.memory_space<hbm>> -> memref<80x128xf32, #tpu.memory_space<hbm>>
      %dma_start3A_323 = arith.constant 0 : i32
      %dma_start3A_324 = tpu.memref_slice %arg4[%add3A_80, %dma_start3A_323] : memref<51200x128xf32, #tpu.memory_space<hbm>> -> memref<80x128xf32, #tpu.memory_space<hbm>>
      tpu.enqueue_dma source(%arg6 : memref<80x128xf32, #tpu.memory_space<vmem>>) target(%dma_start3A_324 : memref<80x128xf32, #tpu.memory_space<hbm>>) target_semaphore(%run_scoped3A : memref<!tpu.dma_semaphore, #tpu.memory_space<semaphore_mem>>)
      %dma_wait3A_325 = arith.constant 0 : i32
      %dma_wait3A_326 = tpu.memref_slice %arg4[%add3A_80, %dma_wait3A_325] : memref<51200x128xf32, #tpu.memory_space<hbm>> -> memref<80x128xf32, #tpu.memory_space<hbm>>
      %dma_wait3A_327 = arith.constant 0 : i32
      %dma_wait3A_328 = tpu.memref_slice %arg4[%add3A_80, %dma_wait3A_327] : memref<51200x128xf32, #tpu.memory_space<hbm>> -> memref<80x128xf32, #tpu.memory_space<hbm>>
      tpu.wait_dma2 semaphore(%run_scoped3A : memref<!tpu.dma_semaphore, #tpu.memory_space<semaphore_mem>>) src(%arg6 : memref<80x128xf32, #tpu.memory_space<vmem>>) dst(%dma_wait3A_328 : memref<80x128xf32, #tpu.memory_space<hbm>>)
      tpu.yield
    }) : () -> ()
    %dma_start3A_81 = arith.constant 5 : i32
    %dma_start3A_82 = arith.constant 0 : i32
    %dma_start3A_83 = tpu.memref_slice %arg5[%dma_start3A_81, %dma_start3A_82] : memref<20x80xi32, #tpu.memory_space<vmem>> -> memref<1x80xi32, #tpu.memory_space<vmem>>
    %dma_start3A_84 = tpu.memref_squeeze %dma_start3A_83 : memref<1x80xi32, #tpu.memory_space<vmem>> -> memref<80xi32, #tpu.memory_space<vmem>>
    %dma_start3A_85 = arith.constant 0 : i32
    %dma_start3A_86 = arith.constant 0 : i32
    %dma_start3A_87 = tpu.memref_slice %arg2[%dma_start3A_85, %dma_start3A_86] : memref<100000x128xf32, #tpu.memory_space<hbm>> -> memref<100000x128xf32, #tpu.memory_space<hbm>>
    tpu.enqueue_indirect_dma source(%dma_start3A_87 : memref<100000x128xf32, #tpu.memory_space<hbm>>) target(%arg6 : memref<80x128xf32, #tpu.memory_space<vmem>>) offsets(%dma_start3A_84 : memref<80xi32, #tpu.memory_space<vmem>>) semaphore(%arg7 : memref<!tpu.dma_semaphore, #tpu.memory_space<semaphore_mem>>)
    %dma_wait3A_88 = arith.constant 5 : i32
    %dma_wait3A_89 = arith.constant 0 : i32
    %dma_wait3A_90 = tpu.memref_slice %arg5[%dma_wait3A_88, %dma_wait3A_89] : memref<20x80xi32, #tpu.memory_space<vmem>> -> memref<1x80xi32, #tpu.memory_space<vmem>>
    %dma_wait3A_91 = tpu.memref_squeeze %dma_wait3A_90 : memref<1x80xi32, #tpu.memory_space<vmem>> -> memref<80xi32, #tpu.memory_space<vmem>>
    %dma_wait3A_92 = arith.constant 0 : i32
    %dma_wait3A_93 = arith.constant 0 : i32
    %dma_wait3A_94 = tpu.memref_slice %arg2[%dma_wait3A_92, %dma_wait3A_93] : memref<100000x128xf32, #tpu.memory_space<hbm>> -> memref<100000x128xf32, #tpu.memory_space<hbm>>
    tpu.wait_indirect_dma semaphore(%arg7 : memref<!tpu.dma_semaphore, #tpu.memory_space<semaphore_mem>>) src(%dma_wait3A_94 : memref<100000x128xf32, #tpu.memory_space<hbm>>) dst(%arg6 : memref<80x128xf32, #tpu.memory_space<vmem>>)
    %add3A_95 = arith.constant 400 : i32
    %add3A_96 = arith.addi %mul3A_2, %add3A_95 : i32
    "tpu.region"() ({
      %run_scoped3A = tpu.sem_alloc : memref<!tpu.dma_semaphore, #tpu.memory_space<semaphore_mem>>
      %dma_start3A_321 = arith.constant 0 : i32
      %dma_start3A_322 = tpu.memref_slice %arg4[%add3A_96, %dma_start3A_321] : memref<51200x128xf32, #tpu.memory_space<hbm>> -> memref<80x128xf32, #tpu.memory_space<hbm>>
      %dma_start3A_323 = arith.constant 0 : i32
      %dma_start3A_324 = tpu.memref_slice %arg4[%add3A_96, %dma_start3A_323] : memref<51200x128xf32, #tpu.memory_space<hbm>> -> memref<80x128xf32, #tpu.memory_space<hbm>>
      tpu.enqueue_dma source(%arg6 : memref<80x128xf32, #tpu.memory_space<vmem>>) target(%dma_start3A_324 : memref<80x128xf32, #tpu.memory_space<hbm>>) target_semaphore(%run_scoped3A : memref<!tpu.dma_semaphore, #tpu.memory_space<semaphore_mem>>)
      %dma_wait3A_325 = arith.constant 0 : i32
      %dma_wait3A_326 = tpu.memref_slice %arg4[%add3A_96, %dma_wait3A_325] : memref<51200x128xf32, #tpu.memory_space<hbm>> -> memref<80x128xf32, #tpu.memory_space<hbm>>
      %dma_wait3A_327 = arith.constant 0 : i32
      %dma_wait3A_328 = tpu.memref_slice %arg4[%add3A_96, %dma_wait3A_327] : memref<51200x128xf32, #tpu.memory_space<hbm>> -> memref<80x128xf32, #tpu.memory_space<hbm>>
      tpu.wait_dma2 semaphore(%run_scoped3A : memref<!tpu.dma_semaphore, #tpu.memory_space<semaphore_mem>>) src(%arg6 : memref<80x128xf32, #tpu.memory_space<vmem>>) dst(%dma_wait3A_328 : memref<80x128xf32, #tpu.memory_space<hbm>>)
      tpu.yield
    }) : () -> ()
    %dma_start3A_97 = arith.constant 6 : i32
    %dma_start3A_98 = arith.constant 0 : i32
    %dma_start3A_99 = tpu.memref_slice %arg5[%dma_start3A_97, %dma_start3A_98] : memref<20x80xi32, #tpu.memory_space<vmem>> -> memref<1x80xi32, #tpu.memory_space<vmem>>
    %dma_start3A_100 = tpu.memref_squeeze %dma_start3A_99 : memref<1x80xi32, #tpu.memory_space<vmem>> -> memref<80xi32, #tpu.memory_space<vmem>>
    %dma_start3A_101 = arith.constant 0 : i32
    %dma_start3A_102 = arith.constant 0 : i32
    %dma_start3A_103 = tpu.memref_slice %arg2[%dma_start3A_101, %dma_start3A_102] : memref<100000x128xf32, #tpu.memory_space<hbm>> -> memref<100000x128xf32, #tpu.memory_space<hbm>>
    tpu.enqueue_indirect_dma source(%dma_start3A_103 : memref<100000x128xf32, #tpu.memory_space<hbm>>) target(%arg6 : memref<80x128xf32, #tpu.memory_space<vmem>>) offsets(%dma_start3A_100 : memref<80xi32, #tpu.memory_space<vmem>>) semaphore(%arg7 : memref<!tpu.dma_semaphore, #tpu.memory_space<semaphore_mem>>)
    %dma_wait3A_104 = arith.constant 6 : i32
    %dma_wait3A_105 = arith.constant 0 : i32
    %dma_wait3A_106 = tpu.memref_slice %arg5[%dma_wait3A_104, %dma_wait3A_105] : memref<20x80xi32, #tpu.memory_space<vmem>> -> memref<1x80xi32, #tpu.memory_space<vmem>>
    %dma_wait3A_107 = tpu.memref_squeeze %dma_wait3A_106 : memref<1x80xi32, #tpu.memory_space<vmem>> -> memref<80xi32, #tpu.memory_space<vmem>>
    %dma_wait3A_108 = arith.constant 0 : i32
    %dma_wait3A_109 = arith.constant 0 : i32
    %dma_wait3A_110 = tpu.memref_slice %arg2[%dma_wait3A_108, %dma_wait3A_109] : memref<100000x128xf32, #tpu.memory_space<hbm>> -> memref<100000x128xf32, #tpu.memory_space<hbm>>
    tpu.wait_indirect_dma semaphore(%arg7 : memref<!tpu.dma_semaphore, #tpu.memory_space<semaphore_mem>>) src(%dma_wait3A_110 : memref<100000x128xf32, #tpu.memory_space<hbm>>) dst(%arg6 : memref<80x128xf32, #tpu.memory_space<vmem>>)
    %add3A_111 = arith.constant 480 : i32
    %add3A_112 = arith.addi %mul3A_2, %add3A_111 : i32
    "tpu.region"() ({
      %run_scoped3A = tpu.sem_alloc : memref<!tpu.dma_semaphore, #tpu.memory_space<semaphore_mem>>
      %dma_start3A_321 = arith.constant 0 : i32
      %dma_start3A_322 = tpu.memref_slice %arg4[%add3A_112, %dma_start3A_321] : memref<51200x128xf32, #tpu.memory_space<hbm>> -> memref<80x128xf32, #tpu.memory_space<hbm>>
      %dma_start3A_323 = arith.constant 0 : i32
      %dma_start3A_324 = tpu.memref_slice %arg4[%add3A_112, %dma_start3A_323] : memref<51200x128xf32, #tpu.memory_space<hbm>> -> memref<80x128xf32, #tpu.memory_space<hbm>>
      tpu.enqueue_dma source(%arg6 : memref<80x128xf32, #tpu.memory_space<vmem>>) target(%dma_start3A_324 : memref<80x128xf32, #tpu.memory_space<hbm>>) target_semaphore(%run_scoped3A : memref<!tpu.dma_semaphore, #tpu.memory_space<semaphore_mem>>)
      %dma_wait3A_325 = arith.constant 0 : i32
      %dma_wait3A_326 = tpu.memref_slice %arg4[%add3A_112, %dma_wait3A_325] : memref<51200x128xf32, #tpu.memory_space<hbm>> -> memref<80x128xf32, #tpu.memory_space<hbm>>
      %dma_wait3A_327 = arith.constant 0 : i32
      %dma_wait3A_328 = tpu.memref_slice %arg4[%add3A_112, %dma_wait3A_327] : memref<51200x128xf32, #tpu.memory_space<hbm>> -> memref<80x128xf32, #tpu.memory_space<hbm>>
      tpu.wait_dma2 semaphore(%run_scoped3A : memref<!tpu.dma_semaphore, #tpu.memory_space<semaphore_mem>>) src(%arg6 : memref<80x128xf32, #tpu.memory_space<vmem>>) dst(%dma_wait3A_328 : memref<80x128xf32, #tpu.memory_space<hbm>>)
      tpu.yield
    }) : () -> ()
    %dma_start3A_113 = arith.constant 7 : i32
    %dma_start3A_114 = arith.constant 0 : i32
    %dma_start3A_115 = tpu.memref_slice %arg5[%dma_start3A_113, %dma_start3A_114] : memref<20x80xi32, #tpu.memory_space<vmem>> -> memref<1x80xi32, #tpu.memory_space<vmem>>
    %dma_start3A_116 = tpu.memref_squeeze %dma_start3A_115 : memref<1x80xi32, #tpu.memory_space<vmem>> -> memref<80xi32, #tpu.memory_space<vmem>>
    %dma_start3A_117 = arith.constant 0 : i32
    %dma_start3A_118 = arith.constant 0 : i32
    %dma_start3A_119 = tpu.memref_slice %arg2[%dma_start3A_117, %dma_start3A_118] : memref<100000x128xf32, #tpu.memory_space<hbm>> -> memref<100000x128xf32, #tpu.memory_space<hbm>>
    tpu.enqueue_indirect_dma source(%dma_start3A_119 : memref<100000x128xf32, #tpu.memory_space<hbm>>) target(%arg6 : memref<80x128xf32, #tpu.memory_space<vmem>>) offsets(%dma_start3A_116 : memref<80xi32, #tpu.memory_space<vmem>>) semaphore(%arg7 : memref<!tpu.dma_semaphore, #tpu.memory_space<semaphore_mem>>)
    %dma_wait3A_120 = arith.constant 7 : i32
    %dma_wait3A_121 = arith.constant 0 : i32
    %dma_wait3A_122 = tpu.memref_slice %arg5[%dma_wait3A_120, %dma_wait3A_121] : memref<20x80xi32, #tpu.memory_space<vmem>> -> memref<1x80xi32, #tpu.memory_space<vmem>>
    %dma_wait3A_123 = tpu.memref_squeeze %dma_wait3A_122 : memref<1x80xi32, #tpu.memory_space<vmem>> -> memref<80xi32, #tpu.memory_space<vmem>>
    %dma_wait3A_124 = arith.constant 0 : i32
    %dma_wait3A_125 = arith.constant 0 : i32
    %dma_wait3A_126 = tpu.memref_slice %arg2[%dma_wait3A_124, %dma_wait3A_125] : memref<100000x128xf32, #tpu.memory_space<hbm>> -> memref<100000x128xf32, #tpu.memory_space<hbm>>
    tpu.wait_indirect_dma semaphore(%arg7 : memref<!tpu.dma_semaphore, #tpu.memory_space<semaphore_mem>>) src(%dma_wait3A_126 : memref<100000x128xf32, #tpu.memory_space<hbm>>) dst(%arg6 : memref<80x128xf32, #tpu.memory_space<vmem>>)
    %add3A_127 = arith.constant 560 : i32
    %add3A_128 = arith.addi %mul3A_2, %add3A_127 : i32
    "tpu.region"() ({
      %run_scoped3A = tpu.sem_alloc : memref<!tpu.dma_semaphore, #tpu.memory_space<semaphore_mem>>
      %dma_start3A_321 = arith.constant 0 : i32
      %dma_start3A_322 = tpu.memref_slice %arg4[%add3A_128, %dma_start3A_321] : memref<51200x128xf32, #tpu.memory_space<hbm>> -> memref<80x128xf32, #tpu.memory_space<hbm>>
      %dma_start3A_323 = arith.constant 0 : i32
      %dma_start3A_324 = tpu.memref_slice %arg4[%add3A_128, %dma_start3A_323] : memref<51200x128xf32, #tpu.memory_space<hbm>> -> memref<80x128xf32, #tpu.memory_space<hbm>>
      tpu.enqueue_dma source(%arg6 : memref<80x128xf32, #tpu.memory_space<vmem>>) target(%dma_start3A_324 : memref<80x128xf32, #tpu.memory_space<hbm>>) target_semaphore(%run_scoped3A : memref<!tpu.dma_semaphore, #tpu.memory_space<semaphore_mem>>)
      %dma_wait3A_325 = arith.constant 0 : i32
      %dma_wait3A_326 = tpu.memref_slice %arg4[%add3A_128, %dma_wait3A_325] : memref<51200x128xf32, #tpu.memory_space<hbm>> -> memref<80x128xf32, #tpu.memory_space<hbm>>
      %dma_wait3A_327 = arith.constant 0 : i32
      %dma_wait3A_328 = tpu.memref_slice %arg4[%add3A_128, %dma_wait3A_327] : memref<51200x128xf32, #tpu.memory_space<hbm>> -> memref<80x128xf32, #tpu.memory_space<hbm>>
      tpu.wait_dma2 semaphore(%run_scoped3A : memref<!tpu.dma_semaphore, #tpu.memory_space<semaphore_mem>>) src(%arg6 : memref<80x128xf32, #tpu.memory_space<vmem>>) dst(%dma_wait3A_328 : memref<80x128xf32, #tpu.memory_space<hbm>>)
      tpu.yield
    }) : () -> ()
    %dma_start3A_129 = arith.constant 8 : i32
    %dma_start3A_130 = arith.constant 0 : i32
    %dma_start3A_131 = tpu.memref_slice %arg5[%dma_start3A_129, %dma_start3A_130] : memref<20x80xi32, #tpu.memory_space<vmem>> -> memref<1x80xi32, #tpu.memory_space<vmem>>
    %dma_start3A_132 = tpu.memref_squeeze %dma_start3A_131 : memref<1x80xi32, #tpu.memory_space<vmem>> -> memref<80xi32, #tpu.memory_space<vmem>>
    %dma_start3A_133 = arith.constant 0 : i32
    %dma_start3A_134 = arith.constant 0 : i32
    %dma_start3A_135 = tpu.memref_slice %arg2[%dma_start3A_133, %dma_start3A_134] : memref<100000x128xf32, #tpu.memory_space<hbm>> -> memref<100000x128xf32, #tpu.memory_space<hbm>>
    tpu.enqueue_indirect_dma source(%dma_start3A_135 : memref<100000x128xf32, #tpu.memory_space<hbm>>) target(%arg6 : memref<80x128xf32, #tpu.memory_space<vmem>>) offsets(%dma_start3A_132 : memref<80xi32, #tpu.memory_space<vmem>>) semaphore(%arg7 : memref<!tpu.dma_semaphore, #tpu.memory_space<semaphore_mem>>)
    %dma_wait3A_136 = arith.constant 8 : i32
    %dma_wait3A_137 = arith.constant 0 : i32
    %dma_wait3A_138 = tpu.memref_slice %arg5[%dma_wait3A_136, %dma_wait3A_137] : memref<20x80xi32, #tpu.memory_space<vmem>> -> memref<1x80xi32, #tpu.memory_space<vmem>>
    %dma_wait3A_139 = tpu.memref_squeeze %dma_wait3A_138 : memref<1x80xi32, #tpu.memory_space<vmem>> -> memref<80xi32, #tpu.memory_space<vmem>>
    %dma_wait3A_140 = arith.constant 0 : i32
    %dma_wait3A_141 = arith.constant 0 : i32
    %dma_wait3A_142 = tpu.memref_slice %arg2[%dma_wait3A_140, %dma_wait3A_141] : memref<100000x128xf32, #tpu.memory_space<hbm>> -> memref<100000x128xf32, #tpu.memory_space<hbm>>
    tpu.wait_indirect_dma semaphore(%arg7 : memref<!tpu.dma_semaphore, #tpu.memory_space<semaphore_mem>>) src(%dma_wait3A_142 : memref<100000x128xf32, #tpu.memory_space<hbm>>) dst(%arg6 : memref<80x128xf32, #tpu.memory_space<vmem>>)
    %add3A_143 = arith.constant 640 : i32
    %add3A_144 = arith.addi %mul3A_2, %add3A_143 : i32
    "tpu.region"() ({
      %run_scoped3A = tpu.sem_alloc : memref<!tpu.dma_semaphore, #tpu.memory_space<semaphore_mem>>
      %dma_start3A_321 = arith.constant 0 : i32
      %dma_start3A_322 = tpu.memref_slice %arg4[%add3A_144, %dma_start3A_321] : memref<51200x128xf32, #tpu.memory_space<hbm>> -> memref<80x128xf32, #tpu.memory_space<hbm>>
      %dma_start3A_323 = arith.constant 0 : i32
      %dma_start3A_324 = tpu.memref_slice %arg4[%add3A_144, %dma_start3A_323] : memref<51200x128xf32, #tpu.memory_space<hbm>> -> memref<80x128xf32, #tpu.memory_space<hbm>>
      tpu.enqueue_dma source(%arg6 : memref<80x128xf32, #tpu.memory_space<vmem>>) target(%dma_start3A_324 : memref<80x128xf32, #tpu.memory_space<hbm>>) target_semaphore(%run_scoped3A : memref<!tpu.dma_semaphore, #tpu.memory_space<semaphore_mem>>)
      %dma_wait3A_325 = arith.constant 0 : i32
      %dma_wait3A_326 = tpu.memref_slice %arg4[%add3A_144, %dma_wait3A_325] : memref<51200x128xf32, #tpu.memory_space<hbm>> -> memref<80x128xf32, #tpu.memory_space<hbm>>
      %dma_wait3A_327 = arith.constant 0 : i32
      %dma_wait3A_328 = tpu.memref_slice %arg4[%add3A_144, %dma_wait3A_327] : memref<51200x128xf32, #tpu.memory_space<hbm>> -> memref<80x128xf32, #tpu.memory_space<hbm>>
      tpu.wait_dma2 semaphore(%run_scoped3A : memref<!tpu.dma_semaphore, #tpu.memory_space<semaphore_mem>>) src(%arg6 : memref<80x128xf32, #tpu.memory_space<vmem>>) dst(%dma_wait3A_328 : memref<80x128xf32, #tpu.memory_space<hbm>>)
      tpu.yield
    }) : () -> ()
    %dma_start3A_145 = arith.constant 9 : i32
    %dma_start3A_146 = arith.constant 0 : i32
    %dma_start3A_147 = tpu.memref_slice %arg5[%dma_start3A_145, %dma_start3A_146] : memref<20x80xi32, #tpu.memory_space<vmem>> -> memref<1x80xi32, #tpu.memory_space<vmem>>
    %dma_start3A_148 = tpu.memref_squeeze %dma_start3A_147 : memref<1x80xi32, #tpu.memory_space<vmem>> -> memref<80xi32, #tpu.memory_space<vmem>>
    %dma_start3A_149 = arith.constant 0 : i32
    %dma_start3A_150 = arith.constant 0 : i32
    %dma_start3A_151 = tpu.memref_slice %arg2[%dma_start3A_149, %dma_start3A_150] : memref<100000x128xf32, #tpu.memory_space<hbm>> -> memref<100000x128xf32, #tpu.memory_space<hbm>>
    tpu.enqueue_indirect_dma source(%dma_start3A_151 : memref<100000x128xf32, #tpu.memory_space<hbm>>) target(%arg6 : memref<80x128xf32, #tpu.memory_space<vmem>>) offsets(%dma_start3A_148 : memref<80xi32, #tpu.memory_space<vmem>>) semaphore(%arg7 : memref<!tpu.dma_semaphore, #tpu.memory_space<semaphore_mem>>)
    %dma_wait3A_152 = arith.constant 9 : i32
    %dma_wait3A_153 = arith.constant 0 : i32
    %dma_wait3A_154 = tpu.memref_slice %arg5[%dma_wait3A_152, %dma_wait3A_153] : memref<20x80xi32, #tpu.memory_space<vmem>> -> memref<1x80xi32, #tpu.memory_space<vmem>>
    %dma_wait3A_155 = tpu.memref_squeeze %dma_wait3A_154 : memref<1x80xi32, #tpu.memory_space<vmem>> -> memref<80xi32, #tpu.memory_space<vmem>>
    %dma_wait3A_156 = arith.constant 0 : i32
    %dma_wait3A_157 = arith.constant 0 : i32
    %dma_wait3A_158 = tpu.memref_slice %arg2[%dma_wait3A_156, %dma_wait3A_157] : memref<100000x128xf32, #tpu.memory_space<hbm>> -> memref<100000x128xf32, #tpu.memory_space<hbm>>
    tpu.wait_indirect_dma semaphore(%arg7 : memref<!tpu.dma_semaphore, #tpu.memory_space<semaphore_mem>>) src(%dma_wait3A_158 : memref<100000x128xf32, #tpu.memory_space<hbm>>) dst(%arg6 : memref<80x128xf32, #tpu.memory_space<vmem>>)
    %add3A_159 = arith.constant 720 : i32
    %add3A_160 = arith.addi %mul3A_2, %add3A_159 : i32
    "tpu.region"() ({
      %run_scoped3A = tpu.sem_alloc : memref<!tpu.dma_semaphore, #tpu.memory_space<semaphore_mem>>
      %dma_start3A_321 = arith.constant 0 : i32
      %dma_start3A_322 = tpu.memref_slice %arg4[%add3A_160, %dma_start3A_321] : memref<51200x128xf32, #tpu.memory_space<hbm>> -> memref<80x128xf32, #tpu.memory_space<hbm>>
      %dma_start3A_323 = arith.constant 0 : i32
      %dma_start3A_324 = tpu.memref_slice %arg4[%add3A_160, %dma_start3A_323] : memref<51200x128xf32, #tpu.memory_space<hbm>> -> memref<80x128xf32, #tpu.memory_space<hbm>>
      tpu.enqueue_dma source(%arg6 : memref<80x128xf32, #tpu.memory_space<vmem>>) target(%dma_start3A_324 : memref<80x128xf32, #tpu.memory_space<hbm>>) target_semaphore(%run_scoped3A : memref<!tpu.dma_semaphore, #tpu.memory_space<semaphore_mem>>)
      %dma_wait3A_325 = arith.constant 0 : i32
      %dma_wait3A_326 = tpu.memref_slice %arg4[%add3A_160, %dma_wait3A_325] : memref<51200x128xf32, #tpu.memory_space<hbm>> -> memref<80x128xf32, #tpu.memory_space<hbm>>
      %dma_wait3A_327 = arith.constant 0 : i32
      %dma_wait3A_328 = tpu.memref_slice %arg4[%add3A_160, %dma_wait3A_327] : memref<51200x128xf32, #tpu.memory_space<hbm>> -> memref<80x128xf32, #tpu.memory_space<hbm>>
      tpu.wait_dma2 semaphore(%run_scoped3A : memref<!tpu.dma_semaphore, #tpu.memory_space<semaphore_mem>>) src(%arg6 : memref<80x128xf32, #tpu.memory_space<vmem>>) dst(%dma_wait3A_328 : memref<80x128xf32, #tpu.memory_space<hbm>>)
      tpu.yield
    }) : () -> ()
    %dma_start3A_161 = arith.constant 10 : i32
    %dma_start3A_162 = arith.constant 0 : i32
    %dma_start3A_163 = tpu.memref_slice %arg5[%dma_start3A_161, %dma_start3A_162] : memref<20x80xi32, #tpu.memory_space<vmem>> -> memref<1x80xi32, #tpu.memory_space<vmem>>
    %dma_start3A_164 = tpu.memref_squeeze %dma_start3A_163 : memref<1x80xi32, #tpu.memory_space<vmem>> -> memref<80xi32, #tpu.memory_space<vmem>>
    %dma_start3A_165 = arith.constant 0 : i32
    %dma_start3A_166 = arith.constant 0 : i32
    %dma_start3A_167 = tpu.memref_slice %arg2[%dma_start3A_165, %dma_start3A_166] : memref<100000x128xf32, #tpu.memory_space<hbm>> -> memref<100000x128xf32, #tpu.memory_space<hbm>>
    tpu.enqueue_indirect_dma source(%dma_start3A_167 : memref<100000x128xf32, #tpu.memory_space<hbm>>) target(%arg6 : memref<80x128xf32, #tpu.memory_space<vmem>>) offsets(%dma_start3A_164 : memref<80xi32, #tpu.memory_space<vmem>>) semaphore(%arg7 : memref<!tpu.dma_semaphore, #tpu.memory_space<semaphore_mem>>)
    %dma_wait3A_168 = arith.constant 10 : i32
    %dma_wait3A_169 = arith.constant 0 : i32
    %dma_wait3A_170 = tpu.memref_slice %arg5[%dma_wait3A_168, %dma_wait3A_169] : memref<20x80xi32, #tpu.memory_space<vmem>> -> memref<1x80xi32, #tpu.memory_space<vmem>>
    %dma_wait3A_171 = tpu.memref_squeeze %dma_wait3A_170 : memref<1x80xi32, #tpu.memory_space<vmem>> -> memref<80xi32, #tpu.memory_space<vmem>>
    %dma_wait3A_172 = arith.constant 0 : i32
    %dma_wait3A_173 = arith.constant 0 : i32
    %dma_wait3A_174 = tpu.memref_slice %arg2[%dma_wait3A_172, %dma_wait3A_173] : memref<100000x128xf32, #tpu.memory_space<hbm>> -> memref<100000x128xf32, #tpu.memory_space<hbm>>
    tpu.wait_indirect_dma semaphore(%arg7 : memref<!tpu.dma_semaphore, #tpu.memory_space<semaphore_mem>>) src(%dma_wait3A_174 : memref<100000x128xf32, #tpu.memory_space<hbm>>) dst(%arg6 : memref<80x128xf32, #tpu.memory_space<vmem>>)
    %add3A_175 = arith.constant 800 : i32
    %add3A_176 = arith.addi %mul3A_2, %add3A_175 : i32
    "tpu.region"() ({
      %run_scoped3A = tpu.sem_alloc : memref<!tpu.dma_semaphore, #tpu.memory_space<semaphore_mem>>
      %dma_start3A_321 = arith.constant 0 : i32
      %dma_start3A_322 = tpu.memref_slice %arg4[%add3A_176, %dma_start3A_321] : memref<51200x128xf32, #tpu.memory_space<hbm>> -> memref<80x128xf32, #tpu.memory_space<hbm>>
      %dma_start3A_323 = arith.constant 0 : i32
      %dma_start3A_324 = tpu.memref_slice %arg4[%add3A_176, %dma_start3A_323] : memref<51200x128xf32, #tpu.memory_space<hbm>> -> memref<80x128xf32, #tpu.memory_space<hbm>>
      tpu.enqueue_dma source(%arg6 : memref<80x128xf32, #tpu.memory_space<vmem>>) target(%dma_start3A_324 : memref<80x128xf32, #tpu.memory_space<hbm>>) target_semaphore(%run_scoped3A : memref<!tpu.dma_semaphore, #tpu.memory_space<semaphore_mem>>)
      %dma_wait3A_325 = arith.constant 0 : i32
      %dma_wait3A_326 = tpu.memref_slice %arg4[%add3A_176, %dma_wait3A_325] : memref<51200x128xf32, #tpu.memory_space<hbm>> -> memref<80x128xf32, #tpu.memory_space<hbm>>
      %dma_wait3A_327 = arith.constant 0 : i32
      %dma_wait3A_328 = tpu.memref_slice %arg4[%add3A_176, %dma_wait3A_327] : memref<51200x128xf32, #tpu.memory_space<hbm>> -> memref<80x128xf32, #tpu.memory_space<hbm>>
      tpu.wait_dma2 semaphore(%run_scoped3A : memref<!tpu.dma_semaphore, #tpu.memory_space<semaphore_mem>>) src(%arg6 : memref<80x128xf32, #tpu.memory_space<vmem>>) dst(%dma_wait3A_328 : memref<80x128xf32, #tpu.memory_space<hbm>>)
      tpu.yield
    }) : () -> ()
    %dma_start3A_177 = arith.constant 11 : i32
    %dma_start3A_178 = arith.constant 0 : i32
    %dma_start3A_179 = tpu.memref_slice %arg5[%dma_start3A_177, %dma_start3A_178] : memref<20x80xi32, #tpu.memory_space<vmem>> -> memref<1x80xi32, #tpu.memory_space<vmem>>
    %dma_start3A_180 = tpu.memref_squeeze %dma_start3A_179 : memref<1x80xi32, #tpu.memory_space<vmem>> -> memref<80xi32, #tpu.memory_space<vmem>>
    %dma_start3A_181 = arith.constant 0 : i32
    %dma_start3A_182 = arith.constant 0 : i32
    %dma_start3A_183 = tpu.memref_slice %arg2[%dma_start3A_181, %dma_start3A_182] : memref<100000x128xf32, #tpu.memory_space<hbm>> -> memref<100000x128xf32, #tpu.memory_space<hbm>>
    tpu.enqueue_indirect_dma source(%dma_start3A_183 : memref<100000x128xf32, #tpu.memory_space<hbm>>) target(%arg6 : memref<80x128xf32, #tpu.memory_space<vmem>>) offsets(%dma_start3A_180 : memref<80xi32, #tpu.memory_space<vmem>>) semaphore(%arg7 : memref<!tpu.dma_semaphore, #tpu.memory_space<semaphore_mem>>)
    %dma_wait3A_184 = arith.constant 11 : i32
    %dma_wait3A_185 = arith.constant 0 : i32
    %dma_wait3A_186 = tpu.memref_slice %arg5[%dma_wait3A_184, %dma_wait3A_185] : memref<20x80xi32, #tpu.memory_space<vmem>> -> memref<1x80xi32, #tpu.memory_space<vmem>>
    %dma_wait3A_187 = tpu.memref_squeeze %dma_wait3A_186 : memref<1x80xi32, #tpu.memory_space<vmem>> -> memref<80xi32, #tpu.memory_space<vmem>>
    %dma_wait3A_188 = arith.constant 0 : i32
    %dma_wait3A_189 = arith.constant 0 : i32
    %dma_wait3A_190 = tpu.memref_slice %arg2[%dma_wait3A_188, %dma_wait3A_189] : memref<100000x128xf32, #tpu.memory_space<hbm>> -> memref<100000x128xf32, #tpu.memory_space<hbm>>
    tpu.wait_indirect_dma semaphore(%arg7 : memref<!tpu.dma_semaphore, #tpu.memory_space<semaphore_mem>>) src(%dma_wait3A_190 : memref<100000x128xf32, #tpu.memory_space<hbm>>) dst(%arg6 : memref<80x128xf32, #tpu.memory_space<vmem>>)
    %add3A_191 = arith.constant 880 : i32
    %add3A_192 = arith.addi %mul3A_2, %add3A_191 : i32
    "tpu.region"() ({
      %run_scoped3A = tpu.sem_alloc : memref<!tpu.dma_semaphore, #tpu.memory_space<semaphore_mem>>
      %dma_start3A_321 = arith.constant 0 : i32
      %dma_start3A_322 = tpu.memref_slice %arg4[%add3A_192, %dma_start3A_321] : memref<51200x128xf32, #tpu.memory_space<hbm>> -> memref<80x128xf32, #tpu.memory_space<hbm>>
      %dma_start3A_323 = arith.constant 0 : i32
      %dma_start3A_324 = tpu.memref_slice %arg4[%add3A_192, %dma_start3A_323] : memref<51200x128xf32, #tpu.memory_space<hbm>> -> memref<80x128xf32, #tpu.memory_space<hbm>>
      tpu.enqueue_dma source(%arg6 : memref<80x128xf32, #tpu.memory_space<vmem>>) target(%dma_start3A_324 : memref<80x128xf32, #tpu.memory_space<hbm>>) target_semaphore(%run_scoped3A : memref<!tpu.dma_semaphore, #tpu.memory_space<semaphore_mem>>)
      %dma_wait3A_325 = arith.constant 0 : i32
      %dma_wait3A_326 = tpu.memref_slice %arg4[%add3A_192, %dma_wait3A_325] : memref<51200x128xf32, #tpu.memory_space<hbm>> -> memref<80x128xf32, #tpu.memory_space<hbm>>
      %dma_wait3A_327 = arith.constant 0 : i32
      %dma_wait3A_328 = tpu.memref_slice %arg4[%add3A_192, %dma_wait3A_327] : memref<51200x128xf32, #tpu.memory_space<hbm>> -> memref<80x128xf32, #tpu.memory_space<hbm>>
      tpu.wait_dma2 semaphore(%run_scoped3A : memref<!tpu.dma_semaphore, #tpu.memory_space<semaphore_mem>>) src(%arg6 : memref<80x128xf32, #tpu.memory_space<vmem>>) dst(%dma_wait3A_328 : memref<80x128xf32, #tpu.memory_space<hbm>>)
      tpu.yield
    }) : () -> ()
    %dma_start3A_193 = arith.constant 12 : i32
    %dma_start3A_194 = arith.constant 0 : i32
    %dma_start3A_195 = tpu.memref_slice %arg5[%dma_start3A_193, %dma_start3A_194] : memref<20x80xi32, #tpu.memory_space<vmem>> -> memref<1x80xi32, #tpu.memory_space<vmem>>
    %dma_start3A_196 = tpu.memref_squeeze %dma_start3A_195 : memref<1x80xi32, #tpu.memory_space<vmem>> -> memref<80xi32, #tpu.memory_space<vmem>>
    %dma_start3A_197 = arith.constant 0 : i32
    %dma_start3A_198 = arith.constant 0 : i32
    %dma_start3A_199 = tpu.memref_slice %arg2[%dma_start3A_197, %dma_start3A_198] : memref<100000x128xf32, #tpu.memory_space<hbm>> -> memref<100000x128xf32, #tpu.memory_space<hbm>>
    tpu.enqueue_indirect_dma source(%dma_start3A_199 : memref<100000x128xf32, #tpu.memory_space<hbm>>) target(%arg6 : memref<80x128xf32, #tpu.memory_space<vmem>>) offsets(%dma_start3A_196 : memref<80xi32, #tpu.memory_space<vmem>>) semaphore(%arg7 : memref<!tpu.dma_semaphore, #tpu.memory_space<semaphore_mem>>)
    %dma_wait3A_200 = arith.constant 12 : i32
    %dma_wait3A_201 = arith.constant 0 : i32
    %dma_wait3A_202 = tpu.memref_slice %arg5[%dma_wait3A_200, %dma_wait3A_201] : memref<20x80xi32, #tpu.memory_space<vmem>> -> memref<1x80xi32, #tpu.memory_space<vmem>>
    %dma_wait3A_203 = tpu.memref_squeeze %dma_wait3A_202 : memref<1x80xi32, #tpu.memory_space<vmem>> -> memref<80xi32, #tpu.memory_space<vmem>>
    %dma_wait3A_204 = arith.constant 0 : i32
    %dma_wait3A_205 = arith.constant 0 : i32
    %dma_wait3A_206 = tpu.memref_slice %arg2[%dma_wait3A_204, %dma_wait3A_205] : memref<100000x128xf32, #tpu.memory_space<hbm>> -> memref<100000x128xf32, #tpu.memory_space<hbm>>
    tpu.wait_indirect_dma semaphore(%arg7 : memref<!tpu.dma_semaphore, #tpu.memory_space<semaphore_mem>>) src(%dma_wait3A_206 : memref<100000x128xf32, #tpu.memory_space<hbm>>) dst(%arg6 : memref<80x128xf32, #tpu.memory_space<vmem>>)
    %add3A_207 = arith.constant 960 : i32
    %add3A_208 = arith.addi %mul3A_2, %add3A_207 : i32
    "tpu.region"() ({
      %run_scoped3A = tpu.sem_alloc : memref<!tpu.dma_semaphore, #tpu.memory_space<semaphore_mem>>
      %dma_start3A_321 = arith.constant 0 : i32
      %dma_start3A_322 = tpu.memref_slice %arg4[%add3A_208, %dma_start3A_321] : memref<51200x128xf32, #tpu.memory_space<hbm>> -> memref<80x128xf32, #tpu.memory_space<hbm>>
      %dma_start3A_323 = arith.constant 0 : i32
      %dma_start3A_324 = tpu.memref_slice %arg4[%add3A_208, %dma_start3A_323] : memref<51200x128xf32, #tpu.memory_space<hbm>> -> memref<80x128xf32, #tpu.memory_space<hbm>>
      tpu.enqueue_dma source(%arg6 : memref<80x128xf32, #tpu.memory_space<vmem>>) target(%dma_start3A_324 : memref<80x128xf32, #tpu.memory_space<hbm>>) target_semaphore(%run_scoped3A : memref<!tpu.dma_semaphore, #tpu.memory_space<semaphore_mem>>)
      %dma_wait3A_325 = arith.constant 0 : i32
      %dma_wait3A_326 = tpu.memref_slice %arg4[%add3A_208, %dma_wait3A_325] : memref<51200x128xf32, #tpu.memory_space<hbm>> -> memref<80x128xf32, #tpu.memory_space<hbm>>
      %dma_wait3A_327 = arith.constant 0 : i32
      %dma_wait3A_328 = tpu.memref_slice %arg4[%add3A_208, %dma_wait3A_327] : memref<51200x128xf32, #tpu.memory_space<hbm>> -> memref<80x128xf32, #tpu.memory_space<hbm>>
      tpu.wait_dma2 semaphore(%run_scoped3A : memref<!tpu.dma_semaphore, #tpu.memory_space<semaphore_mem>>) src(%arg6 : memref<80x128xf32, #tpu.memory_space<vmem>>) dst(%dma_wait3A_328 : memref<80x128xf32, #tpu.memory_space<hbm>>)
      tpu.yield
    }) : () -> ()
    %dma_start3A_209 = arith.constant 13 : i32
    %dma_start3A_210 = arith.constant 0 : i32
    %dma_start3A_211 = tpu.memref_slice %arg5[%dma_start3A_209, %dma_start3A_210] : memref<20x80xi32, #tpu.memory_space<vmem>> -> memref<1x80xi32, #tpu.memory_space<vmem>>
    %dma_start3A_212 = tpu.memref_squeeze %dma_start3A_211 : memref<1x80xi32, #tpu.memory_space<vmem>> -> memref<80xi32, #tpu.memory_space<vmem>>
    %dma_start3A_213 = arith.constant 0 : i32
    %dma_start3A_214 = arith.constant 0 : i32
    %dma_start3A_215 = tpu.memref_slice %arg2[%dma_start3A_213, %dma_start3A_214] : memref<100000x128xf32, #tpu.memory_space<hbm>> -> memref<100000x128xf32, #tpu.memory_space<hbm>>
    tpu.enqueue_indirect_dma source(%dma_start3A_215 : memref<100000x128xf32, #tpu.memory_space<hbm>>) target(%arg6 : memref<80x128xf32, #tpu.memory_space<vmem>>) offsets(%dma_start3A_212 : memref<80xi32, #tpu.memory_space<vmem>>) semaphore(%arg7 : memref<!tpu.dma_semaphore, #tpu.memory_space<semaphore_mem>>)
    %dma_wait3A_216 = arith.constant 13 : i32
    %dma_wait3A_217 = arith.constant 0 : i32
    %dma_wait3A_218 = tpu.memref_slice %arg5[%dma_wait3A_216, %dma_wait3A_217] : memref<20x80xi32, #tpu.memory_space<vmem>> -> memref<1x80xi32, #tpu.memory_space<vmem>>
    %dma_wait3A_219 = tpu.memref_squeeze %dma_wait3A_218 : memref<1x80xi32, #tpu.memory_space<vmem>> -> memref<80xi32, #tpu.memory_space<vmem>>
    %dma_wait3A_220 = arith.constant 0 : i32
    %dma_wait3A_221 = arith.constant 0 : i32
    %dma_wait3A_222 = tpu.memref_slice %arg2[%dma_wait3A_220, %dma_wait3A_221] : memref<100000x128xf32, #tpu.memory_space<hbm>> -> memref<100000x128xf32, #tpu.memory_space<hbm>>
    tpu.wait_indirect_dma semaphore(%arg7 : memref<!tpu.dma_semaphore, #tpu.memory_space<semaphore_mem>>) src(%dma_wait3A_222 : memref<100000x128xf32, #tpu.memory_space<hbm>>) dst(%arg6 : memref<80x128xf32, #tpu.memory_space<vmem>>)
    %add3A_223 = arith.constant 1040 : i32
    %add3A_224 = arith.addi %mul3A_2, %add3A_223 : i32
    "tpu.region"() ({
      %run_scoped3A = tpu.sem_alloc : memref<!tpu.dma_semaphore, #tpu.memory_space<semaphore_mem>>
      %dma_start3A_321 = arith.constant 0 : i32
      %dma_start3A_322 = tpu.memref_slice %arg4[%add3A_224, %dma_start3A_321] : memref<51200x128xf32, #tpu.memory_space<hbm>> -> memref<80x128xf32, #tpu.memory_space<hbm>>
      %dma_start3A_323 = arith.constant 0 : i32
      %dma_start3A_324 = tpu.memref_slice %arg4[%add3A_224, %dma_start3A_323] : memref<51200x128xf32, #tpu.memory_space<hbm>> -> memref<80x128xf32, #tpu.memory_space<hbm>>
      tpu.enqueue_dma source(%arg6 : memref<80x128xf32, #tpu.memory_space<vmem>>) target(%dma_start3A_324 : memref<80x128xf32, #tpu.memory_space<hbm>>) target_semaphore(%run_scoped3A : memref<!tpu.dma_semaphore, #tpu.memory_space<semaphore_mem>>)
      %dma_wait3A_325 = arith.constant 0 : i32
      %dma_wait3A_326 = tpu.memref_slice %arg4[%add3A_224, %dma_wait3A_325] : memref<51200x128xf32, #tpu.memory_space<hbm>> -> memref<80x128xf32, #tpu.memory_space<hbm>>
      %dma_wait3A_327 = arith.constant 0 : i32
      %dma_wait3A_328 = tpu.memref_slice %arg4[%add3A_224, %dma_wait3A_327] : memref<51200x128xf32, #tpu.memory_space<hbm>> -> memref<80x128xf32, #tpu.memory_space<hbm>>
      tpu.wait_dma2 semaphore(%run_scoped3A : memref<!tpu.dma_semaphore, #tpu.memory_space<semaphore_mem>>) src(%arg6 : memref<80x128xf32, #tpu.memory_space<vmem>>) dst(%dma_wait3A_328 : memref<80x128xf32, #tpu.memory_space<hbm>>)
      tpu.yield
    }) : () -> ()
    %dma_start3A_225 = arith.constant 14 : i32
    %dma_start3A_226 = arith.constant 0 : i32
    %dma_start3A_227 = tpu.memref_slice %arg5[%dma_start3A_225, %dma_start3A_226] : memref<20x80xi32, #tpu.memory_space<vmem>> -> memref<1x80xi32, #tpu.memory_space<vmem>>
    %dma_start3A_228 = tpu.memref_squeeze %dma_start3A_227 : memref<1x80xi32, #tpu.memory_space<vmem>> -> memref<80xi32, #tpu.memory_space<vmem>>
    %dma_start3A_229 = arith.constant 0 : i32
    %dma_start3A_230 = arith.constant 0 : i32
    %dma_start3A_231 = tpu.memref_slice %arg2[%dma_start3A_229, %dma_start3A_230] : memref<100000x128xf32, #tpu.memory_space<hbm>> -> memref<100000x128xf32, #tpu.memory_space<hbm>>
    tpu.enqueue_indirect_dma source(%dma_start3A_231 : memref<100000x128xf32, #tpu.memory_space<hbm>>) target(%arg6 : memref<80x128xf32, #tpu.memory_space<vmem>>) offsets(%dma_start3A_228 : memref<80xi32, #tpu.memory_space<vmem>>) semaphore(%arg7 : memref<!tpu.dma_semaphore, #tpu.memory_space<semaphore_mem>>)
    %dma_wait3A_232 = arith.constant 14 : i32
    %dma_wait3A_233 = arith.constant 0 : i32
    %dma_wait3A_234 = tpu.memref_slice %arg5[%dma_wait3A_232, %dma_wait3A_233] : memref<20x80xi32, #tpu.memory_space<vmem>> -> memref<1x80xi32, #tpu.memory_space<vmem>>
    %dma_wait3A_235 = tpu.memref_squeeze %dma_wait3A_234 : memref<1x80xi32, #tpu.memory_space<vmem>> -> memref<80xi32, #tpu.memory_space<vmem>>
    %dma_wait3A_236 = arith.constant 0 : i32
    %dma_wait3A_237 = arith.constant 0 : i32
    %dma_wait3A_238 = tpu.memref_slice %arg2[%dma_wait3A_236, %dma_wait3A_237] : memref<100000x128xf32, #tpu.memory_space<hbm>> -> memref<100000x128xf32, #tpu.memory_space<hbm>>
    tpu.wait_indirect_dma semaphore(%arg7 : memref<!tpu.dma_semaphore, #tpu.memory_space<semaphore_mem>>) src(%dma_wait3A_238 : memref<100000x128xf32, #tpu.memory_space<hbm>>) dst(%arg6 : memref<80x128xf32, #tpu.memory_space<vmem>>)
    %add3A_239 = arith.constant 1120 : i32
    %add3A_240 = arith.addi %mul3A_2, %add3A_239 : i32
    "tpu.region"() ({
      %run_scoped3A = tpu.sem_alloc : memref<!tpu.dma_semaphore, #tpu.memory_space<semaphore_mem>>
      %dma_start3A_321 = arith.constant 0 : i32
      %dma_start3A_322 = tpu.memref_slice %arg4[%add3A_240, %dma_start3A_321] : memref<51200x128xf32, #tpu.memory_space<hbm>> -> memref<80x128xf32, #tpu.memory_space<hbm>>
      %dma_start3A_323 = arith.constant 0 : i32
      %dma_start3A_324 = tpu.memref_slice %arg4[%add3A_240, %dma_start3A_323] : memref<51200x128xf32, #tpu.memory_space<hbm>> -> memref<80x128xf32, #tpu.memory_space<hbm>>
      tpu.enqueue_dma source(%arg6 : memref<80x128xf32, #tpu.memory_space<vmem>>) target(%dma_start3A_324 : memref<80x128xf32, #tpu.memory_space<hbm>>) target_semaphore(%run_scoped3A : memref<!tpu.dma_semaphore, #tpu.memory_space<semaphore_mem>>)
      %dma_wait3A_325 = arith.constant 0 : i32
      %dma_wait3A_326 = tpu.memref_slice %arg4[%add3A_240, %dma_wait3A_325] : memref<51200x128xf32, #tpu.memory_space<hbm>> -> memref<80x128xf32, #tpu.memory_space<hbm>>
      %dma_wait3A_327 = arith.constant 0 : i32
      %dma_wait3A_328 = tpu.memref_slice %arg4[%add3A_240, %dma_wait3A_327] : memref<51200x128xf32, #tpu.memory_space<hbm>> -> memref<80x128xf32, #tpu.memory_space<hbm>>
      tpu.wait_dma2 semaphore(%run_scoped3A : memref<!tpu.dma_semaphore, #tpu.memory_space<semaphore_mem>>) src(%arg6 : memref<80x128xf32, #tpu.memory_space<vmem>>) dst(%dma_wait3A_328 : memref<80x128xf32, #tpu.memory_space<hbm>>)
      tpu.yield
    }) : () -> ()
    %dma_start3A_241 = arith.constant 15 : i32
    %dma_start3A_242 = arith.constant 0 : i32
    %dma_start3A_243 = tpu.memref_slice %arg5[%dma_start3A_241, %dma_start3A_242] : memref<20x80xi32, #tpu.memory_space<vmem>> -> memref<1x80xi32, #tpu.memory_space<vmem>>
    %dma_start3A_244 = tpu.memref_squeeze %dma_start3A_243 : memref<1x80xi32, #tpu.memory_space<vmem>> -> memref<80xi32, #tpu.memory_space<vmem>>
    %dma_start3A_245 = arith.constant 0 : i32
    %dma_start3A_246 = arith.constant 0 : i32
    %dma_start3A_247 = tpu.memref_slice %arg2[%dma_start3A_245, %dma_start3A_246] : memref<100000x128xf32, #tpu.memory_space<hbm>> -> memref<100000x128xf32, #tpu.memory_space<hbm>>
    tpu.enqueue_indirect_dma source(%dma_start3A_247 : memref<100000x128xf32, #tpu.memory_space<hbm>>) target(%arg6 : memref<80x128xf32, #tpu.memory_space<vmem>>) offsets(%dma_start3A_244 : memref<80xi32, #tpu.memory_space<vmem>>) semaphore(%arg7 : memref<!tpu.dma_semaphore, #tpu.memory_space<semaphore_mem>>)
    %dma_wait3A_248 = arith.constant 15 : i32
    %dma_wait3A_249 = arith.constant 0 : i32
    %dma_wait3A_250 = tpu.memref_slice %arg5[%dma_wait3A_248, %dma_wait3A_249] : memref<20x80xi32, #tpu.memory_space<vmem>> -> memref<1x80xi32, #tpu.memory_space<vmem>>
    %dma_wait3A_251 = tpu.memref_squeeze %dma_wait3A_250 : memref<1x80xi32, #tpu.memory_space<vmem>> -> memref<80xi32, #tpu.memory_space<vmem>>
    %dma_wait3A_252 = arith.constant 0 : i32
    %dma_wait3A_253 = arith.constant 0 : i32
    %dma_wait3A_254 = tpu.memref_slice %arg2[%dma_wait3A_252, %dma_wait3A_253] : memref<100000x128xf32, #tpu.memory_space<hbm>> -> memref<100000x128xf32, #tpu.memory_space<hbm>>
    tpu.wait_indirect_dma semaphore(%arg7 : memref<!tpu.dma_semaphore, #tpu.memory_space<semaphore_mem>>) src(%dma_wait3A_254 : memref<100000x128xf32, #tpu.memory_space<hbm>>) dst(%arg6 : memref<80x128xf32, #tpu.memory_space<vmem>>)
    %add3A_255 = arith.constant 1200 : i32
    %add3A_256 = arith.addi %mul3A_2, %add3A_255 : i32
    "tpu.region"() ({
      %run_scoped3A = tpu.sem_alloc : memref<!tpu.dma_semaphore, #tpu.memory_space<semaphore_mem>>
      %dma_start3A_321 = arith.constant 0 : i32
      %dma_start3A_322 = tpu.memref_slice %arg4[%add3A_256, %dma_start3A_321] : memref<51200x128xf32, #tpu.memory_space<hbm>> -> memref<80x128xf32, #tpu.memory_space<hbm>>
      %dma_start3A_323 = arith.constant 0 : i32
      %dma_start3A_324 = tpu.memref_slice %arg4[%add3A_256, %dma_start3A_323] : memref<51200x128xf32, #tpu.memory_space<hbm>> -> memref<80x128xf32, #tpu.memory_space<hbm>>
      tpu.enqueue_dma source(%arg6 : memref<80x128xf32, #tpu.memory_space<vmem>>) target(%dma_start3A_324 : memref<80x128xf32, #tpu.memory_space<hbm>>) target_semaphore(%run_scoped3A : memref<!tpu.dma_semaphore, #tpu.memory_space<semaphore_mem>>)
      %dma_wait3A_325 = arith.constant 0 : i32
      %dma_wait3A_326 = tpu.memref_slice %arg4[%add3A_256, %dma_wait3A_325] : memref<51200x128xf32, #tpu.memory_space<hbm>> -> memref<80x128xf32, #tpu.memory_space<hbm>>
      %dma_wait3A_327 = arith.constant 0 : i32
      %dma_wait3A_328 = tpu.memref_slice %arg4[%add3A_256, %dma_wait3A_327] : memref<51200x128xf32, #tpu.memory_space<hbm>> -> memref<80x128xf32, #tpu.memory_space<hbm>>
      tpu.wait_dma2 semaphore(%run_scoped3A : memref<!tpu.dma_semaphore, #tpu.memory_space<semaphore_mem>>) src(%arg6 : memref<80x128xf32, #tpu.memory_space<vmem>>) dst(%dma_wait3A_328 : memref<80x128xf32, #tpu.memory_space<hbm>>)
      tpu.yield
    }) : () -> ()
    %dma_start3A_257 = arith.constant 16 : i32
    %dma_start3A_258 = arith.constant 0 : i32
    %dma_start3A_259 = tpu.memref_slice %arg5[%dma_start3A_257, %dma_start3A_258] : memref<20x80xi32, #tpu.memory_space<vmem>> -> memref<1x80xi32, #tpu.memory_space<vmem>>
    %dma_start3A_260 = tpu.memref_squeeze %dma_start3A_259 : memref<1x80xi32, #tpu.memory_space<vmem>> -> memref<80xi32, #tpu.memory_space<vmem>>
    %dma_start3A_261 = arith.constant 0 : i32
    %dma_start3A_262 = arith.constant 0 : i32
    %dma_start3A_263 = tpu.memref_slice %arg2[%dma_start3A_261, %dma_start3A_262] : memref<100000x128xf32, #tpu.memory_space<hbm>> -> memref<100000x128xf32, #tpu.memory_space<hbm>>
    tpu.enqueue_indirect_dma source(%dma_start3A_263 : memref<100000x128xf32, #tpu.memory_space<hbm>>) target(%arg6 : memref<80x128xf32, #tpu.memory_space<vmem>>) offsets(%dma_start3A_260 : memref<80xi32, #tpu.memory_space<vmem>>) semaphore(%arg7 : memref<!tpu.dma_semaphore, #tpu.memory_space<semaphore_mem>>)
    %dma_wait3A_264 = arith.constant 16 : i32
    %dma_wait3A_265 = arith.constant 0 : i32
    %dma_wait3A_266 = tpu.memref_slice %arg5[%dma_wait3A_264, %dma_wait3A_265] : memref<20x80xi32, #tpu.memory_space<vmem>> -> memref<1x80xi32, #tpu.memory_space<vmem>>
    %dma_wait3A_267 = tpu.memref_squeeze %dma_wait3A_266 : memref<1x80xi32, #tpu.memory_space<vmem>> -> memref<80xi32, #tpu.memory_space<vmem>>
    %dma_wait3A_268 = arith.constant 0 : i32
    %dma_wait3A_269 = arith.constant 0 : i32
    %dma_wait3A_270 = tpu.memref_slice %arg2[%dma_wait3A_268, %dma_wait3A_269] : memref<100000x128xf32, #tpu.memory_space<hbm>> -> memref<100000x128xf32, #tpu.memory_space<hbm>>
    tpu.wait_indirect_dma semaphore(%arg7 : memref<!tpu.dma_semaphore, #tpu.memory_space<semaphore_mem>>) src(%dma_wait3A_270 : memref<100000x128xf32, #tpu.memory_space<hbm>>) dst(%arg6 : memref<80x128xf32, #tpu.memory_space<vmem>>)
    %add3A_271 = arith.constant 1280 : i32
    %add3A_272 = arith.addi %mul3A_2, %add3A_271 : i32
    "tpu.region"() ({
      %run_scoped3A = tpu.sem_alloc : memref<!tpu.dma_semaphore, #tpu.memory_space<semaphore_mem>>
      %dma_start3A_321 = arith.constant 0 : i32
      %dma_start3A_322 = tpu.memref_slice %arg4[%add3A_272, %dma_start3A_321] : memref<51200x128xf32, #tpu.memory_space<hbm>> -> memref<80x128xf32, #tpu.memory_space<hbm>>
      %dma_start3A_323 = arith.constant 0 : i32
      %dma_start3A_324 = tpu.memref_slice %arg4[%add3A_272, %dma_start3A_323] : memref<51200x128xf32, #tpu.memory_space<hbm>> -> memref<80x128xf32, #tpu.memory_space<hbm>>
      tpu.enqueue_dma source(%arg6 : memref<80x128xf32, #tpu.memory_space<vmem>>) target(%dma_start3A_324 : memref<80x128xf32, #tpu.memory_space<hbm>>) target_semaphore(%run_scoped3A : memref<!tpu.dma_semaphore, #tpu.memory_space<semaphore_mem>>)
      %dma_wait3A_325 = arith.constant 0 : i32
      %dma_wait3A_326 = tpu.memref_slice %arg4[%add3A_272, %dma_wait3A_325] : memref<51200x128xf32, #tpu.memory_space<hbm>> -> memref<80x128xf32, #tpu.memory_space<hbm>>
      %dma_wait3A_327 = arith.constant 0 : i32
      %dma_wait3A_328 = tpu.memref_slice %arg4[%add3A_272, %dma_wait3A_327] : memref<51200x128xf32, #tpu.memory_space<hbm>> -> memref<80x128xf32, #tpu.memory_space<hbm>>
      tpu.wait_dma2 semaphore(%run_scoped3A : memref<!tpu.dma_semaphore, #tpu.memory_space<semaphore_mem>>) src(%arg6 : memref<80x128xf32, #tpu.memory_space<vmem>>) dst(%dma_wait3A_328 : memref<80x128xf32, #tpu.memory_space<hbm>>)
      tpu.yield
    }) : () -> ()
    %dma_start3A_273 = arith.constant 17 : i32
    %dma_start3A_274 = arith.constant 0 : i32
    %dma_start3A_275 = tpu.memref_slice %arg5[%dma_start3A_273, %dma_start3A_274] : memref<20x80xi32, #tpu.memory_space<vmem>> -> memref<1x80xi32, #tpu.memory_space<vmem>>
    %dma_start3A_276 = tpu.memref_squeeze %dma_start3A_275 : memref<1x80xi32, #tpu.memory_space<vmem>> -> memref<80xi32, #tpu.memory_space<vmem>>
    %dma_start3A_277 = arith.constant 0 : i32
    %dma_start3A_278 = arith.constant 0 : i32
    %dma_start3A_279 = tpu.memref_slice %arg2[%dma_start3A_277, %dma_start3A_278] : memref<100000x128xf32, #tpu.memory_space<hbm>> -> memref<100000x128xf32, #tpu.memory_space<hbm>>
    tpu.enqueue_indirect_dma source(%dma_start3A_279 : memref<100000x128xf32, #tpu.memory_space<hbm>>) target(%arg6 : memref<80x128xf32, #tpu.memory_space<vmem>>) offsets(%dma_start3A_276 : memref<80xi32, #tpu.memory_space<vmem>>) semaphore(%arg7 : memref<!tpu.dma_semaphore, #tpu.memory_space<semaphore_mem>>)
    %dma_wait3A_280 = arith.constant 17 : i32
    %dma_wait3A_281 = arith.constant 0 : i32
    %dma_wait3A_282 = tpu.memref_slice %arg5[%dma_wait3A_280, %dma_wait3A_281] : memref<20x80xi32, #tpu.memory_space<vmem>> -> memref<1x80xi32, #tpu.memory_space<vmem>>
    %dma_wait3A_283 = tpu.memref_squeeze %dma_wait3A_282 : memref<1x80xi32, #tpu.memory_space<vmem>> -> memref<80xi32, #tpu.memory_space<vmem>>
    %dma_wait3A_284 = arith.constant 0 : i32
    %dma_wait3A_285 = arith.constant 0 : i32
    %dma_wait3A_286 = tpu.memref_slice %arg2[%dma_wait3A_284, %dma_wait3A_285] : memref<100000x128xf32, #tpu.memory_space<hbm>> -> memref<100000x128xf32, #tpu.memory_space<hbm>>
    tpu.wait_indirect_dma semaphore(%arg7 : memref<!tpu.dma_semaphore, #tpu.memory_space<semaphore_mem>>) src(%dma_wait3A_286 : memref<100000x128xf32, #tpu.memory_space<hbm>>) dst(%arg6 : memref<80x128xf32, #tpu.memory_space<vmem>>)
    %add3A_287 = arith.constant 1360 : i32
    %add3A_288 = arith.addi %mul3A_2, %add3A_287 : i32
    "tpu.region"() ({
      %run_scoped3A = tpu.sem_alloc : memref<!tpu.dma_semaphore, #tpu.memory_space<semaphore_mem>>
      %dma_start3A_321 = arith.constant 0 : i32
      %dma_start3A_322 = tpu.memref_slice %arg4[%add3A_288, %dma_start3A_321] : memref<51200x128xf32, #tpu.memory_space<hbm>> -> memref<80x128xf32, #tpu.memory_space<hbm>>
      %dma_start3A_323 = arith.constant 0 : i32
      %dma_start3A_324 = tpu.memref_slice %arg4[%add3A_288, %dma_start3A_323] : memref<51200x128xf32, #tpu.memory_space<hbm>> -> memref<80x128xf32, #tpu.memory_space<hbm>>
      tpu.enqueue_dma source(%arg6 : memref<80x128xf32, #tpu.memory_space<vmem>>) target(%dma_start3A_324 : memref<80x128xf32, #tpu.memory_space<hbm>>) target_semaphore(%run_scoped3A : memref<!tpu.dma_semaphore, #tpu.memory_space<semaphore_mem>>)
      %dma_wait3A_325 = arith.constant 0 : i32
      %dma_wait3A_326 = tpu.memref_slice %arg4[%add3A_288, %dma_wait3A_325] : memref<51200x128xf32, #tpu.memory_space<hbm>> -> memref<80x128xf32, #tpu.memory_space<hbm>>
      %dma_wait3A_327 = arith.constant 0 : i32
      %dma_wait3A_328 = tpu.memref_slice %arg4[%add3A_288, %dma_wait3A_327] : memref<51200x128xf32, #tpu.memory_space<hbm>> -> memref<80x128xf32, #tpu.memory_space<hbm>>
      tpu.wait_dma2 semaphore(%run_scoped3A : memref<!tpu.dma_semaphore, #tpu.memory_space<semaphore_mem>>) src(%arg6 : memref<80x128xf32, #tpu.memory_space<vmem>>) dst(%dma_wait3A_328 : memref<80x128xf32, #tpu.memory_space<hbm>>)
      tpu.yield
    }) : () -> ()
    %dma_start3A_289 = arith.constant 18 : i32
    %dma_start3A_290 = arith.constant 0 : i32
    %dma_start3A_291 = tpu.memref_slice %arg5[%dma_start3A_289, %dma_start3A_290] : memref<20x80xi32, #tpu.memory_space<vmem>> -> memref<1x80xi32, #tpu.memory_space<vmem>>
    %dma_start3A_292 = tpu.memref_squeeze %dma_start3A_291 : memref<1x80xi32, #tpu.memory_space<vmem>> -> memref<80xi32, #tpu.memory_space<vmem>>
    %dma_start3A_293 = arith.constant 0 : i32
    %dma_start3A_294 = arith.constant 0 : i32
    %dma_start3A_295 = tpu.memref_slice %arg2[%dma_start3A_293, %dma_start3A_294] : memref<100000x128xf32, #tpu.memory_space<hbm>> -> memref<100000x128xf32, #tpu.memory_space<hbm>>
    tpu.enqueue_indirect_dma source(%dma_start3A_295 : memref<100000x128xf32, #tpu.memory_space<hbm>>) target(%arg6 : memref<80x128xf32, #tpu.memory_space<vmem>>) offsets(%dma_start3A_292 : memref<80xi32, #tpu.memory_space<vmem>>) semaphore(%arg7 : memref<!tpu.dma_semaphore, #tpu.memory_space<semaphore_mem>>)
    %dma_wait3A_296 = arith.constant 18 : i32
    %dma_wait3A_297 = arith.constant 0 : i32
    %dma_wait3A_298 = tpu.memref_slice %arg5[%dma_wait3A_296, %dma_wait3A_297] : memref<20x80xi32, #tpu.memory_space<vmem>> -> memref<1x80xi32, #tpu.memory_space<vmem>>
    %dma_wait3A_299 = tpu.memref_squeeze %dma_wait3A_298 : memref<1x80xi32, #tpu.memory_space<vmem>> -> memref<80xi32, #tpu.memory_space<vmem>>
    %dma_wait3A_300 = arith.constant 0 : i32
    %dma_wait3A_301 = arith.constant 0 : i32
    %dma_wait3A_302 = tpu.memref_slice %arg2[%dma_wait3A_300, %dma_wait3A_301] : memref<100000x128xf32, #tpu.memory_space<hbm>> -> memref<100000x128xf32, #tpu.memory_space<hbm>>
    tpu.wait_indirect_dma semaphore(%arg7 : memref<!tpu.dma_semaphore, #tpu.memory_space<semaphore_mem>>) src(%dma_wait3A_302 : memref<100000x128xf32, #tpu.memory_space<hbm>>) dst(%arg6 : memref<80x128xf32, #tpu.memory_space<vmem>>)
    %add3A_303 = arith.constant 1440 : i32
    %add3A_304 = arith.addi %mul3A_2, %add3A_303 : i32
    "tpu.region"() ({
      %run_scoped3A = tpu.sem_alloc : memref<!tpu.dma_semaphore, #tpu.memory_space<semaphore_mem>>
      %dma_start3A_321 = arith.constant 0 : i32
      %dma_start3A_322 = tpu.memref_slice %arg4[%add3A_304, %dma_start3A_321] : memref<51200x128xf32, #tpu.memory_space<hbm>> -> memref<80x128xf32, #tpu.memory_space<hbm>>
      %dma_start3A_323 = arith.constant 0 : i32
      %dma_start3A_324 = tpu.memref_slice %arg4[%add3A_304, %dma_start3A_323] : memref<51200x128xf32, #tpu.memory_space<hbm>> -> memref<80x128xf32, #tpu.memory_space<hbm>>
      tpu.enqueue_dma source(%arg6 : memref<80x128xf32, #tpu.memory_space<vmem>>) target(%dma_start3A_324 : memref<80x128xf32, #tpu.memory_space<hbm>>) target_semaphore(%run_scoped3A : memref<!tpu.dma_semaphore, #tpu.memory_space<semaphore_mem>>)
      %dma_wait3A_325 = arith.constant 0 : i32
      %dma_wait3A_326 = tpu.memref_slice %arg4[%add3A_304, %dma_wait3A_325] : memref<51200x128xf32, #tpu.memory_space<hbm>> -> memref<80x128xf32, #tpu.memory_space<hbm>>
      %dma_wait3A_327 = arith.constant 0 : i32
      %dma_wait3A_328 = tpu.memref_slice %arg4[%add3A_304, %dma_wait3A_327] : memref<51200x128xf32, #tpu.memory_space<hbm>> -> memref<80x128xf32, #tpu.memory_space<hbm>>
      tpu.wait_dma2 semaphore(%run_scoped3A : memref<!tpu.dma_semaphore, #tpu.memory_space<semaphore_mem>>) src(%arg6 : memref<80x128xf32, #tpu.memory_space<vmem>>) dst(%dma_wait3A_328 : memref<80x128xf32, #tpu.memory_space<hbm>>)
      tpu.yield
    }) : () -> ()
    %dma_start3A_305 = arith.constant 19 : i32
    %dma_start3A_306 = arith.constant 0 : i32
    %dma_start3A_307 = tpu.memref_slice %arg5[%dma_start3A_305, %dma_start3A_306] : memref<20x80xi32, #tpu.memory_space<vmem>> -> memref<1x80xi32, #tpu.memory_space<vmem>>
    %dma_start3A_308 = tpu.memref_squeeze %dma_start3A_307 : memref<1x80xi32, #tpu.memory_space<vmem>> -> memref<80xi32, #tpu.memory_space<vmem>>
    %dma_start3A_309 = arith.constant 0 : i32
    %dma_start3A_310 = arith.constant 0 : i32
    %dma_start3A_311 = tpu.memref_slice %arg2[%dma_start3A_309, %dma_start3A_310] : memref<100000x128xf32, #tpu.memory_space<hbm>> -> memref<100000x128xf32, #tpu.memory_space<hbm>>
    tpu.enqueue_indirect_dma source(%dma_start3A_311 : memref<100000x128xf32, #tpu.memory_space<hbm>>) target(%arg6 : memref<80x128xf32, #tpu.memory_space<vmem>>) offsets(%dma_start3A_308 : memref<80xi32, #tpu.memory_space<vmem>>) semaphore(%arg7 : memref<!tpu.dma_semaphore, #tpu.memory_space<semaphore_mem>>)
    %dma_wait3A_312 = arith.constant 19 : i32
    %dma_wait3A_313 = arith.constant 0 : i32
    %dma_wait3A_314 = tpu.memref_slice %arg5[%dma_wait3A_312, %dma_wait3A_313] : memref<20x80xi32, #tpu.memory_space<vmem>> -> memref<1x80xi32, #tpu.memory_space<vmem>>
    %dma_wait3A_315 = tpu.memref_squeeze %dma_wait3A_314 : memref<1x80xi32, #tpu.memory_space<vmem>> -> memref<80xi32, #tpu.memory_space<vmem>>
    %dma_wait3A_316 = arith.constant 0 : i32
    %dma_wait3A_317 = arith.constant 0 : i32
    %dma_wait3A_318 = tpu.memref_slice %arg2[%dma_wait3A_316, %dma_wait3A_317] : memref<100000x128xf32, #tpu.memory_space<hbm>> -> memref<100000x128xf32, #tpu.memory_space<hbm>>
    tpu.wait_indirect_dma semaphore(%arg7 : memref<!tpu.dma_semaphore, #tpu.memory_space<semaphore_mem>>) src(%dma_wait3A_318 : memref<100000x128xf32, #tpu.memory_space<hbm>>) dst(%arg6 : memref<80x128xf32, #tpu.memory_space<vmem>>)
    %add3A_319 = arith.constant 1520 : i32
    %add3A_320 = arith.addi %mul3A_2, %add3A_319 : i32
    "tpu.region"() ({
      %run_scoped3A = tpu.sem_alloc : memref<!tpu.dma_semaphore, #tpu.memory_space<semaphore_mem>>
      %dma_start3A_321 = arith.constant 0 : i32
      %dma_start3A_322 = tpu.memref_slice %arg4[%add3A_320, %dma_start3A_321] : memref<51200x128xf32, #tpu.memory_space<hbm>> -> memref<80x128xf32, #tpu.memory_space<hbm>>
      %dma_start3A_323 = arith.constant 0 : i32
      %dma_start3A_324 = tpu.memref_slice %arg4[%add3A_320, %dma_start3A_323] : memref<51200x128xf32, #tpu.memory_space<hbm>> -> memref<80x128xf32, #tpu.memory_space<hbm>>
      tpu.enqueue_dma source(%arg6 : memref<80x128xf32, #tpu.memory_space<vmem>>) target(%dma_start3A_324 : memref<80x128xf32, #tpu.memory_space<hbm>>) target_semaphore(%run_scoped3A : memref<!tpu.dma_semaphore, #tpu.memory_space<semaphore_mem>>)
      %dma_wait3A_325 = arith.constant 0 : i32
      %dma_wait3A_326 = tpu.memref_slice %arg4[%add3A_320, %dma_wait3A_325] : memref<51200x128xf32, #tpu.memory_space<hbm>> -> memref<80x128xf32, #tpu.memory_space<hbm>>
      %dma_wait3A_327 = arith.constant 0 : i32
      %dma_wait3A_328 = tpu.memref_slice %arg4[%add3A_320, %dma_wait3A_327] : memref<51200x128xf32, #tpu.memory_space<hbm>> -> memref<80x128xf32, #tpu.memory_space<hbm>>
      tpu.wait_dma2 semaphore(%run_scoped3A : memref<!tpu.dma_semaphore, #tpu.memory_space<semaphore_mem>>) src(%arg6 : memref<80x128xf32, #tpu.memory_space<vmem>>) dst(%dma_wait3A_328 : memref<80x128xf32, #tpu.memory_space<hbm>>)
      tpu.yield
    }) : () -> ()
    return
  }
}

module attributes {stable_mosaic.version = 14 : i64} {
  func.func @_mask_body(%arg0: i32, %arg1: memref<64x50xi32, #tpu.memory_space<vmem>>, %arg2: memref<64x50x50xf32, #tpu.memory_space<vmem>>) attributes {dimension_semantics = [#tpu.dimension_semantics<arbitrary>], iteration_bounds = array<i64: 16>, scalar_prefetch = 0 : i64, scratch_operands = 0 : i64, tpu.core_type = #tpu.core_type<tc>, window_params = [{transform_indices = @transform_0, window_bounds = array<i64: 64, 50>}, {transform_indices = @transform_1, window_bounds = array<i64: 64, 50, 50>}]} {
    %get3A = arith.constant 0 : index
    %get3A_0 = arith.constant 0 : index
    %get3A_1 = vector.load %arg1[%get3A, %get3A_0] : memref<64x50xi32, #tpu.memory_space<vmem>>, vector<64x50xi32>
    %convert_element_type3A = arith.sitofp %get3A_1 : vector<64x50xi32> to vector<64x50xf32>
    %broadcast_in_dim3A = vector.shape_cast %convert_element_type3A : vector<64x50xf32> to vector<64x1x50xf32>
    %broadcast_in_dim3A_2 = vector.shape_cast %broadcast_in_dim3A : vector<64x1x50xf32> to vector<64x1x50xf32>
    %broadcast_in_dim3A_3 = vector.broadcast %broadcast_in_dim3A_2 : vector<64x1x50xf32> to vector<64x50x50xf32>
    %swap3A = arith.constant 0 : index
    %swap3A_4 = arith.constant 0 : index
    %swap3A_5 = arith.constant 0 : index
    %swap3A_6 = vector.load %arg2[%swap3A, %swap3A_4, %swap3A_5] : memref<64x50x50xf32, #tpu.memory_space<vmem>>, vector<64x50x50xf32>
    tpu.vector_store %arg2[%swap3A, %swap3A_4, %swap3A_5], %broadcast_in_dim3A_3 {strides = array<i32>} : memref<64x50x50xf32, #tpu.memory_space<vmem>>, vector<64x50x50xf32>,
    return
  }
  func.func @transform_0(%arg0: i32) -> (i32, i32) {
    %c0_i32 = arith.constant 0 : i32
    %c0_i32_0 = arith.constant 0 : i32
    return %arg0, %c0_i32 : i32, i32
  }
  func.func @transform_1(%arg0: i32) -> (i32, i32, i32) {
    %c0_i32 = arith.constant 0 : i32
    %c0_i32_0 = arith.constant 0 : i32
    %c0_i32_1 = arith.constant 0 : i32
    return %arg0, %c0_i32, %c0_i32_0 : i32, i32, i32
  }
}

</mosaic_0001>

<sc_bundles>
// kernel: kernel.4.cloned.1.call-start
scs
__scs_entry_jumppad:
0x0: {  	(pc) =	sbr.rel $0x88, $3  }
0x1: {  	(tag) =	ssettag $0x0;
	lr =	simm.s32 $0x1  }
0x2: {  	[smem:$0x3F9E] =	sst lr;
	_ =	strace $0xD0000000  }
0x3: {  	_ = 	snop  }
0x4: {  	_ = 	snop  }
0x5: {  	_ = 	snop  }
0x6: {  	_ = 	snop  }
0x7: {  	_ = 	snop  }
__scs_overlays_trampoline_lowered:
0x8: {  	[smem:$0x3FAD] =	sst s0  }
0x9: {  	[smem:$0x3FAE] =	sst s1  }
0xa: {  	[smem:$0x3FAF] =	sst s2  }
0xb: {  	[smem:$0x3FB0] =	sst s3  }
0xc: {  	[smem:$0x3FB1] =	sst s4  }
0xd: {  	[smem:$0x3FB2] =	sst s5  }
0xe: {  	[smem:$0x3FB3] =	sst s6  }
0xf: {  	[smem:$0x3FB4] =	sst s7  }
0x10: {  	[smem:$0x3FB5] =	sst s8  }
0x11: {  	[smem:$0x3FB6] =	sst s9;
	s0 =	simm.s32 @!p0 $0x0  }
0x12: {  	s1 =	sld [smem:$0x3F9C];
	s0 =	simm.s32 @p0 $0x1  }
0x13: {  	[smem:$0x3FB7] =	sst s0;
	s0 =	simm.s32 @!p1 $0x0  }
0x14: {  	s2 =	sld [smem:$0x3F9B];
	s0 =	simm.s32 @p1 $0x1  }
0x15: {  	[smem:$0x3FB8] =	sst s0;
	s0 =	simm.s32 @!p2 $0x0  }
0x16: {  	s3 =	sld [smem:$0x3FDB];
	s0 =	simm.s32 @p2 $0x1  }
0x17: {  	s4 =	simm.s32 $0x1BF5;
	[smem:$0x3FBA] =	sst s0  }
0x18: {  	s0 =	sld [smem:$0x3F9D];
	_ =	swait.ge [sflag:s4], $0x0  }
0x19: {  	s7 =	sld [smem:$0x3F9E]  }
0x1a: {  	s8 =	sadd.s32 $0xFFFFE003, lr  }
0x1b: {  	s9 =	sadd.s32 $0xFFFFFEF7, lr;
	s5 =	simm.s32 $0xFFFFFFFF;
	p2 =	slt.u32 s8, $0xFFFFF086  }
0x1c: {  	p1 =	slt.u32 s9, $0xF7A;
	s5 =	simm.s32 @!p2 $0x0  }
0x1d: {  	s5 =	simm.s32 @p1 $0x1;
	p0 =	seq.s32 s7, s2  }
0x1e: {  	s7 =	smul.u32 @!p0 $0xF7A, s2;
	p2 =	seq.s32 @!p0 s5, $0x0  }
0x1f: {  	s9 =	smul.u32 $0xF7A, s1;
	s8 =	simm.s32 @!p0 $0x1BF5;
	p2 =	por !p2, p0  }
0x20: {  	[sflag:s8] =	ssyncset.s32 @!p0 $0xFFFFF086;
	s6 =	sadd.s32 @!p0 s3, s7;
	s7 =	simm.s32 @!p0 $0x108  }
0x21: {  	s3 =	sadd.s32 s3, s9;
	s6 =	sadd.s32 @!p0 $0x88, s6;
	s7 =	simm.s32 @p2 $0x1082  }
0x22: {  	[simem:s7], [sflag:s8] =	dma.local @!p0 [hbm:s6], $0xF7A  }
0x23: {  	s9 =	sor.u32 $0xD0000000, s2;
	s6 =	simm.s32 $0x108;
	_ =	swait.ge @!p0 [sflag:s8], $0x0  }
0x24: {  	s3 =	sadd.s32 $0x88, s3;
	s6 =	simm.s32 @!p1 $0x1082;
	[sflag:s4] =	ssyncset.s32 $0xFFFFF086  }
0x25: {  	[simem:s6], [sflag:s4] =	dma.local [hbm:s3], $0xF7A  }
0x26: {  	[smem:$0x3F9E] =	sst s1;
	(tag) =	ssettag s2;
	_ =	strace s9  }
0x27: {  	s1 =	sld [smem:$0x3FAE]  }
0x28: {  	s2 =	sld [smem:$0x3FAF]  }
0x29: {  	s4 =	sld [smem:$0x3FB1]  }
0x2a: {  	p0 =	seq.s32 s5, $0x0;
	s5 =	sld [smem:$0x3FB2]  }
0x2b: {  	s6 =	sld [smem:$0x3FB3]  }
0x2c: {  	s7 =	sld [smem:$0x3FB4]  }
0x2d: {  	s3 =	simm.s32 $0x108;
	s8 =	sld [smem:$0x3FB5]  }
0x2e: {  	s3 =	simm.s32 @!p0 $0x1082;
	s9 =	sld [smem:$0x3FB6]  }
0x2f: {  	lr =	sadd.s32 s0, s3;
	s0 =	sld [smem:$0x3FAD]  }
0x30: {  	s3 =	sld [smem:$0x3FB0]  }
0x31: {  	[smem:$0x3FB9] =	sst s10  }
0x32: {  	s10 =	sld [smem:$0x3FB7];
	_ =	sdelay $0x3  }
0x33: {  	p0 =	seq.s32 s10, $0x1;
	s10 =	sld [smem:$0x3FB9];
	_ =	sdelay $0x3  }
0x34: {  	[smem:$0x3FB9] =	sst s10  }
0x35: {  	s10 =	sld [smem:$0x3FB8];
	_ =	sdelay $0x3  }
0x36: {  	p1 =	seq.s32 s10, $0x1;
	s10 =	sld [smem:$0x3FB9];
	_ =	sdelay $0x3  }
0x37: {  	[smem:$0x3FB9] =	sst s10  }
0x38: {  	s10 =	sld [smem:$0x3FBA]  }
0x39: {  	_ = 	snop;
	(pc) =	sbr.ind lr, $3  }
0x3a: {  	_ = 	snop  }
0x3b: {  	_ = 	snop  }
0x3c: {  	p2 =	seq.s32 s10, $0x1;
	s10 =	sld [smem:$0x3FB9]  }
0x3d: {  	_ =	shalt  }
0x3e: {  	_ =	shalt  }
0x3f: {  	_ =	shalt  }
0x40: {  	_ =	shalt  }
0x41: {  	_ =	shalt  }
0x42: {  	_ =	shalt  }
0x43: {  	_ =	shalt  }
0x44: {  	_ =	shalt  }
0x45: {  	_ =	shalt  }
0x46: {  	_ =	shalt  }
0x47: {  	_ =	shalt  }
0x48: {  	_ =	shalt  }
0x49: {  	_ =	shalt  }
0x4a: {  	_ =	shalt  }
0x4b: {  	_ =	shalt  }
0x4c: {  	_ =	shalt  }
0x4d: {  	_ =	shalt  }
0x4e: {  	_ =	shalt  }
0x4f: {  	_ =	shalt  }
0x50: {  	_ =	shalt  }
0x51: {  	_ =	shalt  }
0x52: {  	_ =	shalt  }
0x53: {  	_ =	shalt  }
0x54: {  	_ =	shalt  }
0x55: {  	_ =	shalt  }
0x56: {  	_ =	shalt  }
0x57: {  	_ =	shalt  }
0x58: {  	_ =	shalt  }
0x59: {  	_ =	shalt  }
0x5a: {  	_ =	shalt  }
0x5b: {  	_ =	shalt  }
0x5c: {  	_ =	shalt  }
0x5d: {  	_ =	shalt  }
0x5e: {  	_ =	shalt  }
0x5f: {  	_ =	shalt  }
0x60: {  	_ =	shalt  }
0x61: {  	_ =	shalt  }
0x62: {  	_ =	shalt  }
0x63: {  	_ =	shalt  }
0x64: {  	_ =	shalt  }
0x65: {  	_ =	shalt  }
0x66: {  	_ =	shalt  }
0x67: {  	_ =	shalt  }
0x68: {  	_ =	shalt  }
0x69: {  	_ =	shalt  }
0x6a: {  	_ =	shalt  }
0x6b: {  	_ =	shalt  }
0x6c: {  	_ =	shalt  }
0x6d: {  	_ =	shalt  }
0x6e: {  	_ =	shalt  }
0x6f: {  	_ =	shalt  }
0x70: {  	_ =	shalt  }
0x71: {  	_ =	shalt  }
0x72: {  	_ =	shalt  }
0x73: {  	_ =	shalt  }
0x74: {  	_ =	shalt  }
0x75: {  	_ =	shalt  }
0x76: {  	_ =	shalt  }
0x77: {  	_ =	shalt  }
0x78: {  	_ =	shalt  }
0x79: {  	_ =	shalt  }
0x7a: {  	_ =	shalt  }
0x7b: {  	_ =	shalt  }
0x7c: {  	_ =	shalt  }
0x7d: {  	_ =	shalt  }
0x7e: {  	_ =	shalt  }
0x7f: {  	_ =	shalt  }
0x80: {  	_ =	shalt  }
0x81: {  	_ =	shalt  }
0x82: {  	_ =	shalt  }
0x83: {  	_ =	shalt  }
0x84: {  	_ =	shalt  }
0x85: {  	_ =	shalt  }
0x86: {  	_ =	shalt  }
0x87: {  	_ =	shalt  }
.Lfunc_end0:
.L_simem_size_0:
called_computation_lowered:
.L_overlay_start_0:
0x88: {  	s2 =	sld [smem:$0x3FD9]  }
0x89: {  	s3 =	sld [smem:$0x3FFE];
	_ =	sdelay $0x1  }
0x8a: {  	s1 =	srdreg.scid  }
0x8b: {  	s0 =	sand.u32 $0x1, s1  }
0x8c: {  	s14 =	sshll.u32 s0, $0xA;
	s2 =	sadd.s32 s3, s2  }
0x8d: {  	s2 =	sadd.s32 s2, s14  }
0x8e: {  	[smem:$0x3FC5] =	sst s2  }
0x8f: {  	_ = 	snop  }
0x90: {  	s2 =	sld [smem:$0x3FD0];
	_ =	sdelay $0x2  }
0x91: {  	s4 =	simm.s32 $0xA;
	s5 =	simm.s32 $0x10;
	s15 =	sld [smem:$0x3FC7]  }
0x92: {  	[smem:s5], [sflag:s4] =	dma.local [hbm:s2], $0x1  }
0x93: {  	_ =	swait.eq [sflag:s4], $0x1  }
0x94: {  	[sflag:s4] =	ssyncset.done $0x0  }
0x95: {  	[sflag:s4] =	ssyncadd.s32 $0xFFFFFFFF  }
0x96: {  	s16 =	sld [smem:$0x10];
	(tm) =	ssettm $0x1  }
0x97: {  	s17 =	sld [smem:$0x3FFB];
	_ =	sdelay $0x3  }
0x98: {  	_ =	strace s17  }
0x99: {  	s4 =	sld [smem:$0x3FFC];
	_ =	sdelay $0x3  }
0x9a: {  	_ =	strace s4  }
0x9b: {  	s4 =	sld [smem:$0x3FFD];
	_ =	sdelay $0x3  }
0x9c: {  	_ =	strace s4  }
0x9d: {  	_ =	strace $0x8FFFFFFF  }
0x9e: {  	s18 =	sld [smem:$0x3FDB];
	_ =	sdelay $0x1  }
0x9f: {  	s19 =	simm.s32 $_scs_section_size  }
0xa0: {  	s6 =	simm.s32 $_size__tile_overlayer_lowered;
	s7 =	simm.s32 $_tile_overlayer_lowered  }
0xa1: {  	s22 =	simm.s32 $0x1BFF;
	s21 =	sshll.u32 s7, $0x1;
	s4 =	sadd.s32 s19, s18  }
0xa2: {  	s8 =	simm.s32 $0x0;
	s20 =	sshll.u32 s6, $0x1;
	s6 =	sadd.s32 s21, s4  }
0xa3: {  	[timem:s8], [sflag:s22] =	dma.local [hbm:s6], s20  }
0xa4: {  	_ =	swait.ge [sflag:s22], s20  }
0xa5: {  	s5 =	ssub.s32 $0x0, s20;
	[sflag:s22] =	ssyncset.done $0x0  }
0xa6: {  	[sflag:s22] =	ssyncadd.s32 s5;
	_ =	sdelay $0x1  }
0xa7: {  	s23 =	simm.s32 $0x1B8B  }
0xa8: {  	_ =	swait.ge [sflag:s23], $0x1  }
0xa9: {  	[sflag:s23] =	ssyncset.done $0x0  }
0xaa: {  	s25 =	simm.s32 $0x1B8E;
	s24 =	sld [smem:$0x3FFE];
	[sflag:s23] =	ssyncadd.s32 $0xFFFFFFFF  }
0xab: {  	s26 =	simm.s32 $execute0_lowered;
	[smem:$0x3FD2] =	sst s25  }
0xac: {  	s6 =	sshll.u32 s26, $0x1;
	_ =	strace $0x80000046;
	[dreg:$0x1] =	wrdreg $0xFFFFFFFF  }
0xad: {  	s28 =	simm.s32 $_size_execute0_lowered;
	s4 =	sadd.s32 s4, s6;
	[dreg:$0x0] =	wrdreg $0x0  }
0xae: {  	s6 =	sshll.u32 s28, $0x1;
	[dreg:$0x2] =	wrdreg s4  }
0xaf: {  	[dreg:$0x3] =	wrdreg s6  }
0xb0: {  	[dreg:$0x4] =	wrdreg $0xC0  }
0xb1: {  	_ =	task [dreg:s8], $0x5FFFF  }
0xb2: {  	[dreg:$0x1] =	wrdreg $0xFFFFFFFF  }
0xb3: {  	[dreg:$0x0] =	wrdreg $0x60  }
0xb4: {  	[dreg:$0x2] =	wrdreg s15  }
0xb5: {  	[dreg:$0x3] =	wrdreg s24  }
0xb6: {  	[dreg:$0x4] =	wrdreg s16  }
0xb7: {  	[dreg:$0x5] =	wrdreg $0x9  }
0xb8: {  	_ =	task.clear_ibuf [dreg:s8], $0x6FFFF;
	_ =	strace $0x90000046  }
0xb9: {  	s29 =	simm.s32 $0x9;
	_ =	strace $0x80000048  }
0xba: {  	_ =	swait.ge [sflag:s29], $0x1  }
0xbb: {  	[sflag:s29] =	ssyncadd.s32 $0xFFFFFFFF  }
0xbc: {  	_ =	strace $0x90000048  }
0xbd: {  	_ =	sfence  }
0xbe: {  	s30 =	sld [smem:$0x0];
	_ =	sdelay $0x2  }
0xbf: {  	s31 =	sshll.u32 s1, $0xD;
	s1 =	sshrl.u32 s1, $0x2  }
0xc0: {  	s3 =	sand.u32 $0x4000, s31;
	s1 =	sadd.s32 s1, s30  }
0xc1: {  	s0 =	sor.u32 s3, s0;
	s1 =	sshll.u32 s1, $0x11  }
0xc2: {  	s0 =	sor.u32 s1, s0  }
0xc3: {  	s0 =	sadd.s32 $0x8F2B, s0  }
0xc4: {  	[sflag:s0] =	ssyncadd.remote.s32 $0x1  }
0xc5: {  	_ =	sfence.sel $0xFFFF  }
0xc6: {  	[dreg:$0x0] =	wrdreg $0xFFFFFFFF;
	(pc) =	sbr.abs _section_cstart, $3  }
0xc7: {  	[dreg:$0x1] =	wrdreg $0xFFFFFFFF  }
0xc8: {  	_ =	task.clear_ibuf [dreg:s8], $0x2FFFF;
	_ =	strace $0x9FFFFFFF  }
0xc9: {  	(tm) =	ssettm $0x7FFFFFFF  }
tec
execute0_lowered:
.L_overlay_start_1:
0x0: {  	(tag) =	ssettag $0x1  }
0x1: {  	s1 =	srdreg.scid;
	s0 =	stileid.u32  }
0x2: {  	s1 =	sand.u32 $0x1, s1;
	s3 =	sshll.u32 s0, $0x1  }
0x3: {  	s5 =	sor.u32 s1, s3  }
0x4: {  	s2 =	rddreg [dreg:$0x0];
	s7 =	smul.u32 $0x180, s5  }
0x5: {  	s4 =	rddreg [dreg:$0x1];
	s3 =	simm.s32 $0x0;
	s8 =	smul.u32 $0x32000, s5  }
0x6: {  	[smem:$0x7FF] =	sst s3;
	s5 =	smul.u32 $0x6400, s5  }
0x7: {  	s6 =	rddreg [dreg:$0x2];
	_ =	strace $0x80000047  }
0x8: {  	s4 =	sadd.s32 s7, s4;
	s8 =	sshrl.u32 s8, $0x3;
	s9 =	sadd.s32 s6, s5  }
0x9: {  	s4 =	sadd.s32 $0x600, s4;
	s31 =	sadd.s32 s6, s8;
	[dreg:$0x5] =	wrdreg s9  }
0xa: {  	[dreg:$0x4] =	wrdreg s4;
	s10 =	sadd.s32 $0x500, s31  }
0xb: {  	s11 =	sadd.s32 $0xA00, s31;
	[dreg:$0x6] =	wrdreg s10  }
0xc: {  	s12 =	sadd.s32 $0xF00, s31;
	[dreg:$0x7] =	wrdreg s11  }
0xd: {  	s13 =	sadd.s32 $0x1400, s31;
	[dreg:$0x8] =	wrdreg s12  }
0xe: {  	s14 =	sadd.s32 $0x1900, s31;
	[dreg:$0x9] =	wrdreg s13  }
0xf: {  	s15 =	sadd.s32 $0x1E00, s31;
	[dreg:$0xa] =	wrdreg s14  }
0x10: {  	s16 =	sadd.s32 $0x2300, s31;
	[dreg:$0xb] =	wrdreg s15  }
0x11: {  	s17 =	sadd.s32 $0x2800, s31;
	[dreg:$0xc] =	wrdreg s16  }
0x12: {  	s18 =	sadd.s32 $0x2D00, s31;
	[dreg:$0xd] =	wrdreg s17  }
0x13: {  	s19 =	sadd.s32 $0x3200, s31;
	[dreg:$0xe] =	wrdreg s18  }
0x14: {  	s20 =	sadd.s32 $0x3700, s31;
	[dreg:$0xf] =	wrdreg s19  }
0x15: {  	s21 =	sadd.s32 $0x3C00, s31;
	[dreg:$0x10] =	wrdreg s20  }
0x16: {  	s22 =	sadd.s32 $0x4100, s31;
	[dreg:$0x11] =	wrdreg s21  }
0x17: {  	[dreg:$0x12] =	wrdreg s22  }
0x18: {  	s23 =	sadd.s32 $0x4600, s31;
	s24 =	rddreg [dreg:$0x4]  }
0x19: {  	s25 =	sadd.s32 $0x4B00, s31;
	[dreg:$0x13] =	wrdreg s23  }
0x1a: {  	s4 =	simm.s32 $0x2;
	[dreg:$0x14] =	wrdreg s25  }
0x1b: {  	[tilespmem:s3], [sflag:$0x2] =	stream.linear.gather [hbm4b:s24+s3], $0xA00, $0x38;
	[tilespmem:$0x3400] =	vst v63  }
0x1c: {  	_ =	swait.ge [sflag:s4], $0xA00  }
0x1d: {  	s5 =	simm.s32 $0x50;
	[sflag:s4] =	ssyncset.done $0x0  }
0x1e: {  	s7 =	simm.s32 $0x1;
	s6 =	simm.s32 $0xC00;
	[sflag:s4] =	ssyncadd.s32 $0xFFFFF600  }
0x1f: {  	[tilespmem:s6], [sflag:$0x1] =	stream.indirect.gather [hbm4b:s2+s5], $0x80, s3, s5, $0xb8;
	[tilespmem:$0x3400] =	vst v63  }
0x20: {  	_ =	swait.ge [sflag:s7], $0x2800  }
0x21: {  	[sflag:s7] =	ssyncset.done $0x0  }
0x22: {  	s26 =	rddreg [dreg:$0x5];
	[sflag:s7] =	ssyncadd.s32 $0xFFFFD800  }
0x23: {  	[hbm4b:s26+s3] =	stream.linear.scatter [tilespmem:s6], [sflag:$0x2], $0x2800, $0x38;
	[tilespmem:$0x3400] =	vst v63  }
0x24: {  	_ =	swait.ge [sflag:s4], $0x2800  }
0x25: {  	[sflag:s4] =	ssyncset.done $0x0  }
0x26: {  	s8 =	simm.s32 $0x80;
	[sflag:s4] =	ssyncadd.s32 $0xFFFFD800  }
0x27: {  	[tilespmem:s6], [sflag:$0x1] =	stream.indirect.gather [hbm4b:s2+s5], $0x80, s8, s5, $0xb8;
	[tilespmem:$0x3400] =	vst v63  }
0x28: {  	_ =	swait.ge [sflag:s7], $0x2800  }
0x29: {  	[sflag:s7] =	ssyncset.done $0x0  }
0x2a: {  	s9 =	rddreg [dreg:$0x6];
	[sflag:s7] =	ssyncadd.s32 $0xFFFFD800  }
0x2b: {  	[hbm4b:s9+s3] =	stream.linear.scatter [tilespmem:s6], [sflag:$0x2], $0x2800, $0x38;
	[tilespmem:$0x3400] =	vst v63  }
0x2c: {  	_ =	swait.ge [sflag:s4], $0x2800  }
0x2d: {  	[sflag:s4] =	ssyncset.done $0x0  }
0x2e: {  	s9 =	simm.s32 $0x100;
	[sflag:s4] =	ssyncadd.s32 $0xFFFFD800  }
0x2f: {  	[tilespmem:s6], [sflag:$0x1] =	stream.indirect.gather [hbm4b:s2+s5], $0x80, s9, s5, $0xb8;
	[tilespmem:$0x3400] =	vst v63  }
0x30: {  	_ =	swait.ge [sflag:s7], $0x2800  }
0x31: {  	[sflag:s7] =	ssyncset.done $0x0  }
0x32: {  	s10 =	rddreg [dreg:$0x7];
	[sflag:s7] =	ssyncadd.s32 $0xFFFFD800  }
0x33: {  	[hbm4b:s10+s3] =	stream.linear.scatter [tilespmem:s6], [sflag:$0x2], $0x2800, $0x38;
	[tilespmem:$0x3400] =	vst v63  }
0x34: {  	_ =	swait.ge [sflag:s4], $0x2800  }
0x35: {  	[sflag:s4] =	ssyncset.done $0x0  }
0x36: {  	s10 =	simm.s32 $0x180;
	[sflag:s4] =	ssyncadd.s32 $0xFFFFD800  }
0x37: {  	[tilespmem:s6], [sflag:$0x1] =	stream.indirect.gather [hbm4b:s2+s5], $0x80, s10, s5, $0xb8;
	[tilespmem:$0x3400] =	vst v63  }
0x38: {  	_ =	swait.ge [sflag:s7], $0x2800  }
0x39: {  	[sflag:s7] =	ssyncset.done $0x0  }
0x3a: {  	s11 =	rddreg [dreg:$0x8];
	[sflag:s7] =	ssyncadd.s32 $0xFFFFD800  }
0x3b: {  	[hbm4b:s11+s3] =	stream.linear.scatter [tilespmem:s6], [sflag:$0x2], $0x2800, $0x38;
	[tilespmem:$0x3400] =	vst v63  }
0x3c: {  	_ =	swait.ge [sflag:s4], $0x2800  }
0x3d: {  	[sflag:s4] =	ssyncset.done $0x0  }
0x3e: {  	s11 =	simm.s32 $0x200;
	[sflag:s4] =	ssyncadd.s32 $0xFFFFD800  }
0x3f: {  	[tilespmem:s6], [sflag:$0x1] =	stream.indirect.gather [hbm4b:s2+s5], $0x80, s11, s5, $0xb8;
	[tilespmem:$0x3400] =	vst v63  }
0x40: {  	_ =	swait.ge [sflag:s7], $0x2800  }
0x41: {  	[sflag:s7] =	ssyncset.done $0x0  }
0x42: {  	s12 =	rddreg [dreg:$0x9];
	[sflag:s7] =	ssyncadd.s32 $0xFFFFD800  }
0x43: {  	[hbm4b:s12+s3] =	stream.linear.scatter [tilespmem:s6], [sflag:$0x2], $0x2800, $0x38;
	[tilespmem:$0x3400] =	vst v63  }
0x44: {  	_ =	swait.ge [sflag:s4], $0x2800  }
0x45: {  	[sflag:s4] =	ssyncset.done $0x0  }
0x46: {  	s12 =	simm.s32 $0x280;
	[sflag:s4] =	ssyncadd.s32 $0xFFFFD800  }
0x47: {  	[tilespmem:s6], [sflag:$0x1] =	stream.indirect.gather [hbm4b:s2+s5], $0x80, s12, s5, $0xb8;
	[tilespmem:$0x3400] =	vst v63  }
0x48: {  	_ =	swait.ge [sflag:s7], $0x2800  }
0x49: {  	[sflag:s7] =	ssyncset.done $0x0  }
0x4a: {  	s13 =	rddreg [dreg:$0xa];
	[sflag:s7] =	ssyncadd.s32 $0xFFFFD800  }
0x4b: {  	[hbm4b:s13+s3] =	stream.linear.scatter [tilespmem:s6], [sflag:$0x2], $0x2800, $0x38;
	[tilespmem:$0x3400] =	vst v63  }
0x4c: {  	_ =	swait.ge [sflag:s4], $0x2800  }
0x4d: {  	[sflag:s4] =	ssyncset.done $0x0  }
0x4e: {  	s13 =	simm.s32 $0x300;
	[sflag:s4] =	ssyncadd.s32 $0xFFFFD800  }
0x4f: {  	[tilespmem:s6], [sflag:$0x1] =	stream.indirect.gather [hbm4b:s2+s5], $0x80, s13, s5, $0xb8;
	[tilespmem:$0x3400] =	vst v63  }
0x50: {  	_ =	swait.ge [sflag:s7], $0x2800  }
0x51: {  	[sflag:s7] =	ssyncset.done $0x0  }
0x52: {  	s14 =	rddreg [dreg:$0xb];
	[sflag:s7] =	ssyncadd.s32 $0xFFFFD800  }
0x53: {  	[hbm4b:s14+s3] =	stream.linear.scatter [tilespmem:s6], [sflag:$0x2], $0x2800, $0x38;
	[tilespmem:$0x3400] =	vst v63  }
0x54: {  	_ =	swait.ge [sflag:s4], $0x2800  }
0x55: {  	[sflag:s4] =	ssyncset.done $0x0  }
0x56: {  	s14 =	simm.s32 $0x380;
	[sflag:s4] =	ssyncadd.s32 $0xFFFFD800  }
0x57: {  	[tilespmem:s6], [sflag:$0x1] =	stream.indirect.gather [hbm4b:s2+s5], $0x80, s14, s5, $0xb8;
	[tilespmem:$0x3400] =	vst v63  }
0x58: {  	_ =	swait.ge [sflag:s7], $0x2800  }
0x59: {  	[sflag:s7] =	ssyncset.done $0x0  }
0x5a: {  	s15 =	rddreg [dreg:$0xc];
	[sflag:s7] =	ssyncadd.s32 $0xFFFFD800  }
0x5b: {  	[hbm4b:s15+s3] =	stream.linear.scatter [tilespmem:s6], [sflag:$0x2], $0x2800, $0x38;
	[tilespmem:$0x3400] =	vst v63  }
0x5c: {  	_ =	swait.ge [sflag:s4], $0x2800  }
0x5d: {  	[sflag:s4] =	ssyncset.done $0x0  }
0x5e: {  	s15 =	simm.s32 $0x400;
	[sflag:s4] =	ssyncadd.s32 $0xFFFFD800  }
0x5f: {  	[tilespmem:s6], [sflag:$0x1] =	stream.indirect.gather [hbm4b:s2+s5], $0x80, s15, s5, $0xb8;
	[tilespmem:$0x3400] =	vst v63  }
0x60: {  	_ =	swait.ge [sflag:s7], $0x2800  }
0x61: {  	[sflag:s7] =	ssyncset.done $0x0  }
0x62: {  	s16 =	rddreg [dreg:$0xd];
	[sflag:s7] =	ssyncadd.s32 $0xFFFFD800  }
0x63: {  	[hbm4b:s16+s3] =	stream.linear.scatter [tilespmem:s6], [sflag:$0x2], $0x2800, $0x38;
	[tilespmem:$0x3400] =	vst v63  }
0x64: {  	_ =	swait.ge [sflag:s4], $0x2800  }
0x65: {  	[sflag:s4] =	ssyncset.done $0x0  }
0x66: {  	s16 =	simm.s32 $0x480;
	[sflag:s4] =	ssyncadd.s32 $0xFFFFD800  }
0x67: {  	[tilespmem:s6], [sflag:$0x1] =	stream.indirect.gather [hbm4b:s2+s5], $0x80, s16, s5, $0xb8;
	[tilespmem:$0x3400] =	vst v63  }
0x68: {  	_ =	swait.ge [sflag:s7], $0x2800  }
0x69: {  	[sflag:s7] =	ssyncset.done $0x0  }
0x6a: {  	s17 =	rddreg [dreg:$0xe];
	[sflag:s7] =	ssyncadd.s32 $0xFFFFD800  }
0x6b: {  	[hbm4b:s17+s3] =	stream.linear.scatter [tilespmem:s6], [sflag:$0x2], $0x2800, $0x38;
	[tilespmem:$0x3400] =	vst v63  }
0x6c: {  	_ =	swait.ge [sflag:s4], $0x2800  }
0x6d: {  	[sflag:s4] =	ssyncset.done $0x0  }
0x6e: {  	s17 =	simm.s32 $0x500;
	[sflag:s4] =	ssyncadd.s32 $0xFFFFD800  }
0x6f: {  	[tilespmem:s6], [sflag:$0x1] =	stream.indirect.gather [hbm4b:s2+s5], $0x80, s17, s5, $0xb8;
	[tilespmem:$0x3400] =	vst v63  }
0x70: {  	_ =	swait.ge [sflag:s7], $0x2800  }
0x71: {  	[sflag:s7] =	ssyncset.done $0x0  }
0x72: {  	s18 =	rddreg [dreg:$0xf];
	[sflag:s7] =	ssyncadd.s32 $0xFFFFD800  }
0x73: {  	[hbm4b:s18+s3] =	stream.linear.scatter [tilespmem:s6], [sflag:$0x2], $0x2800, $0x38;
	[tilespmem:$0x3400] =	vst v63  }
0x74: {  	_ =	swait.ge [sflag:s4], $0x2800  }
0x75: {  	[sflag:s4] =	ssyncset.done $0x0  }
0x76: {  	s18 =	simm.s32 $0x580;
	[sflag:s4] =	ssyncadd.s32 $0xFFFFD800  }
0x77: {  	[tilespmem:s6], [sflag:$0x1] =	stream.indirect.gather [hbm4b:s2+s5], $0x80, s18, s5, $0xb8;
	[tilespmem:$0x3400] =	vst v63  }
0x78: {  	_ =	swait.ge [sflag:s7], $0x2800  }
0x79: {  	[sflag:s7] =	ssyncset.done $0x0  }
0x7a: {  	s19 =	rddreg [dreg:$0x10];
	[sflag:s7] =	ssyncadd.s32 $0xFFFFD800  }
0x7b: {  	[hbm4b:s19+s3] =	stream.linear.scatter [tilespmem:s6], [sflag:$0x2], $0x2800, $0x38;
	[tilespmem:$0x3400] =	vst v63  }
0x7c: {  	_ =	swait.ge [sflag:s4], $0x2800  }
0x7d: {  	[sflag:s4] =	ssyncset.done $0x0  }
0x7e: {  	s19 =	simm.s32 $0x600;
	[sflag:s4] =	ssyncadd.s32 $0xFFFFD800  }
0x7f: {  	[tilespmem:s6], [sflag:$0x1] =	stream.indirect.gather [hbm4b:s2+s5], $0x80, s19, s5, $0xb8;
	[tilespmem:$0x3400] =	vst v63  }
0x80: {  	_ =	swait.ge [sflag:s7], $0x2800  }
0x81: {  	[sflag:s7] =	ssyncset.done $0x0  }
0x82: {  	s20 =	rddreg [dreg:$0x11];
	[sflag:s7] =	ssyncadd.s32 $0xFFFFD800  }
0x83: {  	[hbm4b:s20+s3] =	stream.linear.scatter [tilespmem:s6], [sflag:$0x2], $0x2800, $0x38;
	[tilespmem:$0x3400] =	vst v63  }
0x84: {  	_ =	swait.ge [sflag:s4], $0x2800  }
0x85: {  	[sflag:s4] =	ssyncset.done $0x0  }
0x86: {  	s20 =	simm.s32 $0x680;
	[sflag:s4] =	ssyncadd.s32 $0xFFFFD800  }
0x87: {  	[tilespmem:s6], [sflag:$0x1] =	stream.indirect.gather [hbm4b:s2+s5], $0x80, s20, s5, $0xb8;
	[tilespmem:$0x3400] =	vst v63  }
0x88: {  	_ =	swait.ge [sflag:s7], $0x2800  }
0x89: {  	[sflag:s7] =	ssyncset.done $0x0  }
0x8a: {  	s21 =	rddreg [dreg:$0x12];
	[sflag:s7] =	ssyncadd.s32 $0xFFFFD800  }
0x8b: {  	[hbm4b:s21+s3] =	stream.linear.scatter [tilespmem:s6], [sflag:$0x2], $0x2800, $0x38;
	[tilespmem:$0x3400] =	vst v63  }
0x8c: {  	_ =	swait.ge [sflag:s4], $0x2800  }
0x8d: {  	[sflag:s4] =	ssyncset.done $0x0  }
0x8e: {  	s21 =	simm.s32 $0x700;
	[sflag:s4] =	ssyncadd.s32 $0xFFFFD800  }
0x8f: {  	[tilespmem:s6], [sflag:$0x1] =	stream.indirect.gather [hbm4b:s2+s5], $0x80, s21, s5, $0xb8;
	[tilespmem:$0x3400] =	vst v63  }
0x90: {  	_ =	swait.ge [sflag:s7], $0x2800  }
0x91: {  	[sflag:s7] =	ssyncset.done $0x0  }
0x92: {  	s22 =	rddreg [dreg:$0x13];
	[sflag:s7] =	ssyncadd.s32 $0xFFFFD800  }
0x93: {  	[hbm4b:s22+s3] =	stream.linear.scatter [tilespmem:s6], [sflag:$0x2], $0x2800, $0x38;
	[tilespmem:$0x3400] =	vst v63  }
0x94: {  	_ =	swait.ge [sflag:s4], $0x2800  }
0x95: {  	[sflag:s4] =	ssyncset.done $0x0  }
0x96: {  	s22 =	simm.s32 $0x780;
	[sflag:s4] =	ssyncadd.s32 $0xFFFFD800  }
0x97: {  	[tilespmem:s6], [sflag:$0x1] =	stream.indirect.gather [hbm4b:s2+s5], $0x80, s22, s5, $0xb8;
	[tilespmem:$0x3400] =	vst v63  }
0x98: {  	_ =	swait.ge [sflag:s7], $0x2800  }
0x99: {  	[sflag:s7] =	ssyncset.done $0x0  }
0x9a: {  	s23 =	rddreg [dreg:$0x14];
	[sflag:s7] =	ssyncadd.s32 $0xFFFFD800  }
0x9b: {  	[hbm4b:s23+s3] =	stream.linear.scatter [tilespmem:s6], [sflag:$0x2], $0x2800, $0x38;
	[tilespmem:$0x3400] =	vst v63  }
0x9c: {  	_ =	swait.ge [sflag:s4], $0x2800  }
0x9d: {  	[sflag:s4] =	ssyncset.done $0x0  }
0x9e: {  	s23 =	simm.s32 $0x800;
	[sflag:s4] =	ssyncadd.s32 $0xFFFFD800  }
0x9f: {  	[tilespmem:s6], [sflag:$0x1] =	stream.indirect.gather [hbm4b:s2+s5], $0x80, s23, s5, $0xb8;
	[tilespmem:$0x3400] =	vst v63  }
0xa0: {  	_ =	swait.ge [sflag:s7], $0x2800  }
0xa1: {  	[sflag:s7] =	ssyncset.done $0x0  }
0xa2: {  	s24 =	sadd.s32 $0x5000, s31;
	[sflag:s7] =	ssyncadd.s32 $0xFFFFD800  }
0xa3: {  	[hbm4b:s24+s3] =	stream.linear.scatter [tilespmem:s6], [sflag:$0x2], $0x2800, $0x38;
	[tilespmem:$0x3400] =	vst v63  }
0xa4: {  	_ =	swait.ge [sflag:s4], $0x2800  }
0xa5: {  	[sflag:s4] =	ssyncset.done $0x0  }
0xa6: {  	s25 =	simm.s32 $0x880;
	[sflag:s4] =	ssyncadd.s32 $0xFFFFD800  }
0xa7: {  	[tilespmem:s6], [sflag:$0x1] =	stream.indirect.gather [hbm4b:s2+s5], $0x80, s25, s5, $0xb8;
	[tilespmem:$0x3400] =	vst v63  }
0xa8: {  	_ =	swait.ge [sflag:s7], $0x2800  }
0xa9: {  	[sflag:s7] =	ssyncset.done $0x0  }
0xaa: {  	s26 =	sadd.s32 $0x5500, s31;
	[sflag:s7] =	ssyncadd.s32 $0xFFFFD800  }
0xab: {  	[hbm4b:s26+s3] =	stream.linear.scatter [tilespmem:s6], [sflag:$0x2], $0x2800, $0x38;
	[tilespmem:$0x3400] =	vst v63  }
0xac: {  	_ =	swait.ge [sflag:s4], $0x2800  }
0xad: {  	[sflag:s4] =	ssyncset.done $0x0  }
0xae: {  	s28 =	simm.s32 $0x900;
	[sflag:s4] =	ssyncadd.s32 $0xFFFFD800  }
0xaf: {  	[tilespmem:s6], [sflag:$0x1] =	stream.indirect.gather [hbm4b:s2+s5], $0x80, s28, s5, $0xb8;
	[tilespmem:$0x3400] =	vst v63  }
0xb0: {  	_ =	swait.ge [sflag:s7], $0x2800  }
0xb1: {  	s1 =	ssub.s32 $0x2, s1;
	[sflag:s7] =	ssyncset.done $0x0  }
0xb2: {  	s0 =	sshrl.u32 s1, $0x1;
	s29 =	sadd.s32 $0x5A00, s31;
	[sflag:s7] =	ssyncadd.s32 $0xFFFFD800  }
0xb3: {  	[hbm4b:s29+s3] =	stream.linear.scatter [tilespmem:s6], [sflag:$0x2], $0x2800, $0x38;
	[tilespmem:$0x3400] =	vst v63  }
0xb4: {  	s0 =	ssub.s32 s1, s0;
	_ =	swait.ge [sflag:s4], $0x2800  }
0xb5: {  	s0 =	smax.u32 s0, $0x1;
	[sflag:s4] =	ssyncset.done $0x0  }
0xb6: {  	s30 =	simm.s32 $0x980;
	p0 =	sne.s32 s0, $0x1;
	[sflag:s4] =	ssyncadd.s32 $0xFFFFD800  }
0xb7: {  	[tilespmem:s6], [sflag:$0x1] =	stream.indirect.gather [hbm4b:s2+s5], $0x80, s30, s5, $0xb8;
	[tilespmem:$0x3400] =	vst v63  }
.Ltmp0:
0xb8: {  	_ =	swait.ge [sflag:s7], $0x2800;
	(pc) =	sbr.rel @!p0 .LBB2_2-.Ltmp0, $4  }
0xb9: {  	[sflag:s7] =	ssyncset.done $0x0  }
0xba: {  	s31 =	sadd.s32 $0x5F00, s31;
	[sflag:s7] =	ssyncadd.s32 $0xFFFFD800  }
0xbb: {  	[hbm4b:s31+s3] =	stream.linear.scatter [tilespmem:s6], [sflag:$0x2], $0x2800, $0x38;
	[tilespmem:$0x3400] =	vst v63  }
0xbc: {  	s1 =	sadd.s32 $0xFFFFFFFF, s0;
	_ =	swait.ge [sflag:s4], $0x2800  }
.LBB2_1:
0xbd: {  	[sflag:s4] =	ssyncset.done $0x0  }
0xbe: {  	s0 =	rddreg [dreg:$0x4];
	[sflag:s4] =	ssyncadd.s32 $0xFFFFD800  }
0xbf: {  	[tilespmem:s3], [sflag:$0x2] =	stream.linear.gather [hbm4b:s0+s3], $0xA00, $0x38;
	[tilespmem:$0x3400] =	vst v63  }
0xc0: {  	_ =	swait.ge [sflag:s4], $0xA00  }
0xc1: {  	[sflag:s4] =	ssyncset.done $0x0  }
0xc2: {  	[sflag:s4] =	ssyncadd.s32 $0xFFFFF600  }
0xc3: {  	[tilespmem:s6], [sflag:$0x1] =	stream.indirect.gather [hbm4b:s2+s5], $0x80, s3, s5, $0xb8;
	[tilespmem:$0x3400] =	vst v63  }
0xc4: {  	_ =	swait.ge [sflag:s7], $0x2800  }
0xc5: {  	[sflag:s7] =	ssyncset.done $0x0  }
0xc6: {  	s0 =	rddreg [dreg:$0x5];
	[sflag:s7] =	ssyncadd.s32 $0xFFFFD800  }
0xc7: {  	[hbm4b:s0+s3] =	stream.linear.scatter [tilespmem:s6], [sflag:$0x2], $0x2800, $0x38;
	[tilespmem:$0x3400] =	vst v63  }
0xc8: {  	_ =	swait.ge [sflag:s4], $0x2800  }
0xc9: {  	[sflag:s4] =	ssyncset.done $0x0  }
0xca: {  	[sflag:s4] =	ssyncadd.s32 $0xFFFFD800  }
0xcb: {  	[tilespmem:s6], [sflag:$0x1] =	stream.indirect.gather [hbm4b:s2+s5], $0x80, s8, s5, $0xb8;
	[tilespmem:$0x3400] =	vst v63  }
0xcc: {  	_ =	swait.ge [sflag:s7], $0x2800  }
0xcd: {  	[sflag:s7] =	ssyncset.done $0x0  }
0xce: {  	s0 =	rddreg [dreg:$0x6];
	[sflag:s7] =	ssyncadd.s32 $0xFFFFD800  }
0xcf: {  	[hbm4b:s0+s3] =	stream.linear.scatter [tilespmem:s6], [sflag:$0x2], $0x2800, $0x38;
	[tilespmem:$0x3400] =	vst v63  }
0xd0: {  	_ =	swait.ge [sflag:s4], $0x2800  }
0xd1: {  	[sflag:s4] =	ssyncset.done $0x0  }
0xd2: {  	[sflag:s4] =	ssyncadd.s32 $0xFFFFD800  }
0xd3: {  	[tilespmem:s6], [sflag:$0x1] =	stream.indirect.gather [hbm4b:s2+s5], $0x80, s9, s5, $0xb8;
	[tilespmem:$0x3400] =	vst v63  }
0xd4: {  	_ =	swait.ge [sflag:s7], $0x2800  }
0xd5: {  	[sflag:s7] =	ssyncset.done $0x0  }
0xd6: {  	s0 =	rddreg [dreg:$0x7];
	[sflag:s7] =	ssyncadd.s32 $0xFFFFD800  }
0xd7: {  	[hbm4b:s0+s3] =	stream.linear.scatter [tilespmem:s6], [sflag:$0x2], $0x2800, $0x38;
	[tilespmem:$0x3400] =	vst v63  }
0xd8: {  	_ =	swait.ge [sflag:s4], $0x2800  }
0xd9: {  	[sflag:s4] =	ssyncset.done $0x0  }
0xda: {  	[sflag:s4] =	ssyncadd.s32 $0xFFFFD800  }
0xdb: {  	[tilespmem:s6], [sflag:$0x1] =	stream.indirect.gather [hbm4b:s2+s5], $0x80, s10, s5, $0xb8;
	[tilespmem:$0x3400] =	vst v63  }
0xdc: {  	_ =	swait.ge [sflag:s7], $0x2800  }
0xdd: {  	[sflag:s7] =	ssyncset.done $0x0  }
0xde: {  	s0 =	rddreg [dreg:$0x8];
	[sflag:s7] =	ssyncadd.s32 $0xFFFFD800  }
0xdf: {  	[hbm4b:s0+s3] =	stream.linear.scatter [tilespmem:s6], [sflag:$0x2], $0x2800, $0x38;
	[tilespmem:$0x3400] =	vst v63  }
0xe0: {  	_ =	swait.ge [sflag:s4], $0x2800  }
0xe1: {  	[sflag:s4] =	ssyncset.done $0x0  }
0xe2: {  	[sflag:s4] =	ssyncadd.s32 $0xFFFFD800  }
0xe3: {  	[tilespmem:s6], [sflag:$0x1] =	stream.indirect.gather [hbm4b:s2+s5], $0x80, s11, s5, $0xb8;
	[tilespmem:$0x3400] =	vst v63  }
0xe4: {  	_ =	swait.ge [sflag:s7], $0x2800  }
0xe5: {  	[sflag:s7] =	ssyncset.done $0x0  }
0xe6: {  	s0 =	rddreg [dreg:$0x9];
	[sflag:s7] =	ssyncadd.s32 $0xFFFFD800  }
0xe7: {  	[hbm4b:s0+s3] =	stream.linear.scatter [tilespmem:s6], [sflag:$0x2], $0x2800, $0x38;
	[tilespmem:$0x3400] =	vst v63  }
0xe8: {  	_ =	swait.ge [sflag:s4], $0x2800  }
0xe9: {  	[sflag:s4] =	ssyncset.done $0x0  }
0xea: {  	[sflag:s4] =	ssyncadd.s32 $0xFFFFD800  }
0xeb: {  	[tilespmem:s6], [sflag:$0x1] =	stream.indirect.gather [hbm4b:s2+s5], $0x80, s12, s5, $0xb8;
	[tilespmem:$0x3400] =	vst v63  }
0xec: {  	_ =	swait.ge [sflag:s7], $0x2800  }
0xed: {  	[sflag:s7] =	ssyncset.done $0x0  }
0xee: {  	s0 =	rddreg [dreg:$0xa];
	[sflag:s7] =	ssyncadd.s32 $0xFFFFD800  }
0xef: {  	[hbm4b:s0+s3] =	stream.linear.scatter [tilespmem:s6], [sflag:$0x2], $0x2800, $0x38;
	[tilespmem:$0x3400] =	vst v63  }
0xf0: {  	_ =	swait.ge [sflag:s4], $0x2800  }
0xf1: {  	[sflag:s4] =	ssyncset.done $0x0  }
0xf2: {  	[sflag:s4] =	ssyncadd.s32 $0xFFFFD800  }
0xf3: {  	[tilespmem:s6], [sflag:$0x1] =	stream.indirect.gather [hbm4b:s2+s5], $0x80, s13, s5, $0xb8;
	[tilespmem:$0x3400] =	vst v63  }
0xf4: {  	_ =	swait.ge [sflag:s7], $0x2800  }
0xf5: {  	[sflag:s7] =	ssyncset.done $0x0  }
0xf6: {  	s0 =	rddreg [dreg:$0xb];
	[sflag:s7] =	ssyncadd.s32 $0xFFFFD800  }
0xf7: {  	[hbm4b:s0+s3] =	stream.linear.scatter [tilespmem:s6], [sflag:$0x2], $0x2800, $0x38;
	[tilespmem:$0x3400] =	vst v63  }
0xf8: {  	_ =	swait.ge [sflag:s4], $0x2800  }
0xf9: {  	[sflag:s4] =	ssyncset.done $0x0  }
0xfa: {  	[sflag:s4] =	ssyncadd.s32 $0xFFFFD800  }
0xfb: {  	[tilespmem:s6], [sflag:$0x1] =	stream.indirect.gather [hbm4b:s2+s5], $0x80, s14, s5, $0xb8;
	[tilespmem:$0x3400] =	vst v63  }
0xfc: {  	_ =	swait.ge [sflag:s7], $0x2800  }
0xfd: {  	[sflag:s7] =	ssyncset.done $0x0  }
0xfe: {  	s0 =	rddreg [dreg:$0xc];
	[sflag:s7] =	ssyncadd.s32 $0xFFFFD800  }
0xff: {  	[hbm4b:s0+s3] =	stream.linear.scatter [tilespmem:s6], [sflag:$0x2], $0x2800, $0x38;
	[tilespmem:$0x3400] =	vst v63  }
0x100: {  	_ =	swait.ge [sflag:s4], $0x2800  }
0x101: {  	[sflag:s4] =	ssyncset.done $0x0  }
0x102: {  	[sflag:s4] =	ssyncadd.s32 $0xFFFFD800  }
0x103: {  	[tilespmem:s6], [sflag:$0x1] =	stream.indirect.gather [hbm4b:s2+s5], $0x80, s15, s5, $0xb8;
	[tilespmem:$0x3400] =	vst v63  }
0x104: {  	_ =	swait.ge [sflag:s7], $0x2800  }
0x105: {  	[sflag:s7] =	ssyncset.done $0x0  }
0x106: {  	s0 =	rddreg [dreg:$0xd];
	[sflag:s7] =	ssyncadd.s32 $0xFFFFD800  }
0x107: {  	[hbm4b:s0+s3] =	stream.linear.scatter [tilespmem:s6], [sflag:$0x2], $0x2800, $0x38;
	[tilespmem:$0x3400] =	vst v63  }
0x108: {  	_ =	swait.ge [sflag:s4], $0x2800  }
0x109: {  	[sflag:s4] =	ssyncset.done $0x0  }
0x10a: {  	[sflag:s4] =	ssyncadd.s32 $0xFFFFD800  }
0x10b: {  	[tilespmem:s6], [sflag:$0x1] =	stream.indirect.gather [hbm4b:s2+s5], $0x80, s16, s5, $0xb8;
	[tilespmem:$0x3400] =	vst v63  }
0x10c: {  	_ =	swait.ge [sflag:s7], $0x2800  }
0x10d: {  	[sflag:s7] =	ssyncset.done $0x0  }
0x10e: {  	s0 =	rddreg [dreg:$0xe];
	[sflag:s7] =	ssyncadd.s32 $0xFFFFD800  }
0x10f: {  	[hbm4b:s0+s3] =	stream.linear.scatter [tilespmem:s6], [sflag:$0x2], $0x2800, $0x38;
	[tilespmem:$0x3400] =	vst v63  }
0x110: {  	_ =	swait.ge [sflag:s4], $0x2800  }
0x111: {  	[sflag:s4] =	ssyncset.done $0x0  }
0x112: {  	[sflag:s4] =	ssyncadd.s32 $0xFFFFD800  }
0x113: {  	[tilespmem:s6], [sflag:$0x1] =	stream.indirect.gather [hbm4b:s2+s5], $0x80, s17, s5, $0xb8;
	[tilespmem:$0x3400] =	vst v63  }
0x114: {  	_ =	swait.ge [sflag:s7], $0x2800  }
0x115: {  	[sflag:s7] =	ssyncset.done $0x0  }
0x116: {  	s0 =	rddreg [dreg:$0xf];
	[sflag:s7] =	ssyncadd.s32 $0xFFFFD800  }
0x117: {  	[hbm4b:s0+s3] =	stream.linear.scatter [tilespmem:s6], [sflag:$0x2], $0x2800, $0x38;
	[tilespmem:$0x3400] =	vst v63  }
0x118: {  	_ =	swait.ge [sflag:s4], $0x2800  }
0x119: {  	[sflag:s4] =	ssyncset.done $0x0  }
0x11a: {  	[sflag:s4] =	ssyncadd.s32 $0xFFFFD800  }
0x11b: {  	[tilespmem:s6], [sflag:$0x1] =	stream.indirect.gather [hbm4b:s2+s5], $0x80, s18, s5, $0xb8;
	[tilespmem:$0x3400] =	vst v63  }
0x11c: {  	_ =	swait.ge [sflag:s7], $0x2800  }
0x11d: {  	[sflag:s7] =	ssyncset.done $0x0  }
0x11e: {  	s0 =	rddreg [dreg:$0x10];
	[sflag:s7] =	ssyncadd.s32 $0xFFFFD800  }
0x11f: {  	[hbm4b:s0+s3] =	stream.linear.scatter [tilespmem:s6], [sflag:$0x2], $0x2800, $0x38;
	[tilespmem:$0x3400] =	vst v63  }
0x120: {  	_ =	swait.ge [sflag:s4], $0x2800  }
0x121: {  	[sflag:s4] =	ssyncset.done $0x0  }
0x122: {  	[sflag:s4] =	ssyncadd.s32 $0xFFFFD800  }
0x123: {  	[tilespmem:s6], [sflag:$0x1] =	stream.indirect.gather [hbm4b:s2+s5], $0x80, s19, s5, $0xb8;
	[tilespmem:$0x3400] =	vst v63  }
0x124: {  	_ =	swait.ge [sflag:s7], $0x2800  }
0x125: {  	[sflag:s7] =	ssyncset.done $0x0  }
0x126: {  	s0 =	rddreg [dreg:$0x11];
	[sflag:s7] =	ssyncadd.s32 $0xFFFFD800  }
0x127: {  	[hbm4b:s0+s3] =	stream.linear.scatter [tilespmem:s6], [sflag:$0x2], $0x2800, $0x38;
	[tilespmem:$0x3400] =	vst v63  }
0x128: {  	_ =	swait.ge [sflag:s4], $0x2800  }
0x129: {  	[sflag:s4] =	ssyncset.done $0x0  }
0x12a: {  	[sflag:s4] =	ssyncadd.s32 $0xFFFFD800  }
0x12b: {  	[tilespmem:s6], [sflag:$0x1] =	stream.indirect.gather [hbm4b:s2+s5], $0x80, s20, s5, $0xb8;
	[tilespmem:$0x3400] =	vst v63  }
0x12c: {  	_ =	swait.ge [sflag:s7], $0x2800  }
0x12d: {  	[sflag:s7] =	ssyncset.done $0x0  }
0x12e: {  	s0 =	rddreg [dreg:$0x12];
	[sflag:s7] =	ssyncadd.s32 $0xFFFFD800  }
0x12f: {  	[hbm4b:s0+s3] =	stream.linear.scatter [tilespmem:s6], [sflag:$0x2], $0x2800, $0x38;
	[tilespmem:$0x3400] =	vst v63  }
0x130: {  	_ =	swait.ge [sflag:s4], $0x2800  }
0x131: {  	[sflag:s4] =	ssyncset.done $0x0  }
0x132: {  	[sflag:s4] =	ssyncadd.s32 $0xFFFFD800  }
0x133: {  	[tilespmem:s6], [sflag:$0x1] =	stream.indirect.gather [hbm4b:s2+s5], $0x80, s21, s5, $0xb8;
	[tilespmem:$0x3400] =	vst v63  }
0x134: {  	_ =	swait.ge [sflag:s7], $0x2800  }
0x135: {  	[sflag:s7] =	ssyncset.done $0x0  }
0x136: {  	s0 =	rddreg [dreg:$0x13];
	[sflag:s7] =	ssyncadd.s32 $0xFFFFD800  }
0x137: {  	[hbm4b:s0+s3] =	stream.linear.scatter [tilespmem:s6], [sflag:$0x2], $0x2800, $0x38;
	[tilespmem:$0x3400] =	vst v63  }
0x138: {  	_ =	swait.ge [sflag:s4], $0x2800  }
0x139: {  	[sflag:s4] =	ssyncset.done $0x0  }
0x13a: {  	[sflag:s4] =	ssyncadd.s32 $0xFFFFD800  }
0x13b: {  	[tilespmem:s6], [sflag:$0x1] =	stream.indirect.gather [hbm4b:s2+s5], $0x80, s22, s5, $0xb8;
	[tilespmem:$0x3400] =	vst v63  }
0x13c: {  	_ =	swait.ge [sflag:s7], $0x2800  }
0x13d: {  	[sflag:s7] =	ssyncset.done $0x0  }
0x13e: {  	s0 =	rddreg [dreg:$0x14];
	[sflag:s7] =	ssyncadd.s32 $0xFFFFD800  }
0x13f: {  	[hbm4b:s0+s3] =	stream.linear.scatter [tilespmem:s6], [sflag:$0x2], $0x2800, $0x38;
	[tilespmem:$0x3400] =	vst v63  }
0x140: {  	_ =	swait.ge [sflag:s4], $0x2800  }
0x141: {  	[sflag:s4] =	ssyncset.done $0x0  }
0x142: {  	[sflag:s4] =	ssyncadd.s32 $0xFFFFD800  }
0x143: {  	[tilespmem:s6], [sflag:$0x1] =	stream.indirect.gather [hbm4b:s2+s5], $0x80, s23, s5, $0xb8;
	[tilespmem:$0x3400] =	vst v63  }
0x144: {  	_ =	swait.ge [sflag:s7], $0x2800  }
0x145: {  	[sflag:s7] =	ssyncset.done $0x0  }
0x146: {  	[sflag:s7] =	ssyncadd.s32 $0xFFFFD800  }
0x147: {  	[hbm4b:s24+s3] =	stream.linear.scatter [tilespmem:s6], [sflag:$0x2], $0x2800, $0x38;
	[tilespmem:$0x3400] =	vst v63  }
0x148: {  	_ =	swait.ge [sflag:s4], $0x2800  }
0x149: {  	[sflag:s4] =	ssyncset.done $0x0  }
0x14a: {  	[sflag:s4] =	ssyncadd.s32 $0xFFFFD800  }
0x14b: {  	[tilespmem:s6], [sflag:$0x1] =	stream.indirect.gather [hbm4b:s2+s5], $0x80, s25, s5, $0xb8;
	[tilespmem:$0x3400] =	vst v63  }
0x14c: {  	_ =	swait.ge [sflag:s7], $0x2800  }
0x14d: {  	[sflag:s7] =	ssyncset.done $0x0  }
0x14e: {  	[sflag:s7] =	ssyncadd.s32 $0xFFFFD800  }
0x14f: {  	[hbm4b:s26+s3] =	stream.linear.scatter [tilespmem:s6], [sflag:$0x2], $0x2800, $0x38;
	[tilespmem:$0x3400] =	vst v63  }
0x150: {  	_ =	swait.ge [sflag:s4], $0x2800  }
0x151: {  	[sflag:s4] =	ssyncset.done $0x0  }
0x152: {  	[sflag:s4] =	ssyncadd.s32 $0xFFFFD800  }
0x153: {  	[tilespmem:s6], [sflag:$0x1] =	stream.indirect.gather [hbm4b:s2+s5], $0x80, s28, s5, $0xb8;
	[tilespmem:$0x3400] =	vst v63  }
0x154: {  	_ =	swait.ge [sflag:s7], $0x2800  }
0x155: {  	[sflag:s7] =	ssyncset.done $0x0  }
0x156: {  	[sflag:s7] =	ssyncadd.s32 $0xFFFFD800  }
0x157: {  	[hbm4b:s29+s3] =	stream.linear.scatter [tilespmem:s6], [sflag:$0x2], $0x2800, $0x38;
	[tilespmem:$0x3400] =	vst v63  }
0x158: {  	_ =	swait.ge [sflag:s4], $0x2800  }
0x159: {  	[sflag:s4] =	ssyncset.done $0x0  }
0x15a: {  	p0 =	sne.s32 s1, $0x1;
	[sflag:s4] =	ssyncadd.s32 $0xFFFFD800  }
0x15b: {  	[tilespmem:s6], [sflag:$0x1] =	stream.indirect.gather [hbm4b:s2+s5], $0x80, s30, s5, $0xb8;
	[tilespmem:$0x3400] =	vst v63  }
.Ltmp1:
0x15c: {  	_ =	swait.ge [sflag:s7], $0x2800;
	(pc) =	sbr.rel @p0 .LBB2_1-.Ltmp1, $4  }
0x15d: {  	[sflag:s7] =	ssyncset.done $0x0  }
0x15e: {  	[sflag:s7] =	ssyncadd.s32 $0xFFFFD800  }
0x15f: {  	[hbm4b:s31+s3] =	stream.linear.scatter [tilespmem:s6], [sflag:$0x2], $0x2800, $0x38;
	[tilespmem:$0x3400] =	vst v63  }
0x160: {  	s1 =	sadd.s32 $0xFFFFFFFF, s1;
	_ =	swait.ge [sflag:s4], $0x2800  }
.LBB2_2:
0x161: {  	[sflag:s4] =	ssyncset.done $0x0  }
0x162: {  	[sflag:s4] =	ssyncadd.s32 $0xFFFFD800  }
0x163: {  	_ =	sfence.sel $0x180000  }
0x164: {  	[bflag:$0x0] =	sbarrier.arrive $0xFFFF  }
0x165: {  	_ =	strace $0x90000047  }
0x166: {  	s0 =	stileid.u32;
	[bflag:$0x2] =	sbarrier.arrive $0xFFFF  }
0x167: {  	p0 =	sne.s32 s0, $0x0;
	s0 =	rddreg [dreg:$0x3]  }
0x168: {  	s0 =	sadd.s32 @!p0 $0x100000, s0  }
0x169: {  	[sflag:s0] =	ssyncadd.tile.s32 @!p0 $0x1;
	_ =	shalt  }
.Lfunc_end2:
_tile_overlayer_lowered:
.L_overlay_start_2:
0x16a: {  	(tag) =	ssettag $0x2  }
0x16b: {  	s0 =	rddreg [dreg:$0x0];
	s2 =	stileid.u32  }
0x16c: {  	s1 =	rddreg [dreg:$0x1];
	p0 =	sne.s32 s2, $0x0  }
0x16d: {  	s3 =	rddreg [dreg:$0x2];
	[bflag:$0x3] =	sbarrier.arrive $0xFFFF;
	s2 =	simm.s32 @!p0 $0x1C02  }
0x16e: {  	[timem:s3], [sflag:s2] =	dma.local @!p0 [hbm:s0], s1  }
0x16f: {  	s0 =	simm.s32 @!p0 $0x2  }
0x170: {  	_ =	swait.ge @!p0 [sflag:s0], s1  }
0x171: {  	s1 =	ssub.s32 @!p0 $0x0, s1;
	[sflag:s0] =	ssyncset.done @!p0 $0x0  }
0x172: {  	[sflag:s0] =	ssyncadd.s32 @!p0 s1  }
0x173: {  	[bflag:$0x3] =	sbarrier.arrive $0xFFFF  }
0x174: {  	_ =	shalt  }

</sc_bundles>
